<compile_context>
chip_gen: v7x
topology: tpu7x:2x2x1
jax: 0.10.2.dev20260603
libtpu: 0.0.44.dev20260713+nightly
codegen_flags: <defaults>
</compile_context>

<pallas_src>
import functools

import jax
import jax.numpy as jnp
from jax import lax
from jax.experimental import pallas as pl
from jax.experimental.pallas import tpu as pltpu
from jax.experimental.pallas import tpu_sc as plsc

N = 10000
E = 320000
D = 128
R = 8
B = 4

NC = 2
NS = 16
NW = NC * NS
EW = E // NW
C = 80
NCH = EW // C
SB = 25
NSB = NCH // SB
NP = 10240
SROWS = NP // NS

BN = 1000
NB = N // BN


def _h_body(c_ref, x_ref, w_ref, h_ref):
    xb = x_ref[...]
    ys = [jnp.dot(xb, w_ref[b], preferred_element_type=jnp.float32)
          for b in range(B)]
    for r in range(R):
        acc = ys[0] * c_ref[r, 0]
        for b in range(1, B):
            acc = acc + ys[b] * c_ref[r, b]
        h_ref[r] = acc


def _h_call(w_comp, x, weight):
    return pl.pallas_call(
        _h_body,
        grid=(NB,),
        in_specs=[
            pl.BlockSpec(memory_space=pltpu.SMEM),
            pl.BlockSpec((BN, D), lambda i: (i, 0)),
            pl.BlockSpec((B, D, D), lambda i: (0, 0, 0)),
        ],
        out_specs=pl.BlockSpec((R, BN, D), lambda i: (0, i, 0)),
        out_shape=jax.ShapeDtypeStruct((R, N, D), jnp.float32),
    )(w_comp, x, weight)


def _g_body(et_ref, src_ref, g_ref):
    g_ref[...] = et_ref[...] * N + src_ref[...]


def _g_call(et2d, src2d):
    return pl.pallas_call(
        _g_body,
        out_shape=jax.ShapeDtypeStruct(et2d.shape, jnp.int32),
    )(et2d, src2d)


_sc_mesh = plsc.VectorSubcoreMesh(core_axis_name="c", subcore_axis_name="s")


@functools.partial(
    pl.kernel,
    out_type=jax.ShapeDtypeStruct((NC * NP, D), jnp.float32),
    mesh=_sc_mesh,
    scratch_types=[
        pltpu.VMEM((2, SB, C), jnp.int32),
        pltpu.VMEM((2, SB, C), jnp.int32),
        pltpu.VMEM((2, C, D), jnp.float32),
        pltpu.VMEM_SHARED((NP, D), jnp.float32),
        pltpu.SemaphoreType.DMA,
        pltpu.SemaphoreType.DMA,
        pltpu.SemaphoreType.DMA,
    ],
)
def _sc_scatter(h_hbm, g_hbm, dst_hbm, zeros_hbm, out_hbm,
                gidx_v, dst_v, rows_v, acc, sem0, sem1, semi):
    cid = lax.axis_index("c")
    sid = lax.axis_index("s")
    wid = sid * NC + cid

    def _idx_load(sb, buf, sem):
        pltpu.async_copy(g_hbm.at[wid, sb], gidx_v.at[buf], sem)
        pltpu.async_copy(dst_hbm.at[wid, sb], dst_v.at[buf], sem)

    def _idx_drain(buf, sem):
        pltpu.make_async_copy(g_hbm.at[0, 0], gidx_v.at[buf], sem).wait()
        pltpu.make_async_copy(dst_hbm.at[0, 0], dst_v.at[buf], sem).wait()

    _idx_load(0, 0, semi)
    pltpu.sync_copy(zeros_hbm, acc.at[pl.ds(sid * SROWS, SROWS)])
    plsc.subcore_barrier()

    def _gather(ib, j, buf, sem):
        return pltpu.async_copy(h_hbm.at[gidx_v.at[ib, j]], rows_v.at[buf], sem)

    def _drain(buf, sem):
        pltpu.make_async_copy(h_hbm.at[gidx_v.at[0, 0]], rows_v.at[buf], sem).wait()

    def _scatter(ib, j, buf):
        pltpu.sync_copy(rows_v.at[buf], acc.at[dst_v.at[ib, j]], add=True)

    @pl.loop(0, NSB)
    def _superblock(sb):
        ib = lax.rem(sb, 2)
        _idx_drain(ib, semi)

        @pl.when(sb < NSB - 1)
        def _prefetch():
            _idx_load(sb + 1, 1 - ib, semi)

        _gather(ib, 0, 0, sem0)

        @pl.loop(0, (SB - 1) // 2)
        def _pair(k):
            j = 1 + 2 * k
            _drain(0, sem0)
            _gather(ib, j, 1, sem1)
            _scatter(ib, j - 1, 0)
            _drain(1, sem1)
            _gather(ib, j + 1, 0, sem0)
            _scatter(ib, j, 1)

        _drain(0, sem0)
        _scatter(ib, SB - 1, 0)

    plsc.subcore_barrier()
    pltpu.sync_copy(acc.at[pl.ds(sid * SROWS, SROWS)],
                    out_hbm.at[pl.ds(cid * NP + sid * SROWS, SROWS)])


def _comb_body(p_ref, b_ref, o_ref):
    o_ref[...] = p_ref[0] + p_ref[1] + b_ref[...]


def _comb_call(p, bias2d):
    return pl.pallas_call(
        _comb_body,
        grid=(NB,),
        in_specs=[
            pl.BlockSpec((NC, BN, D), lambda i: (0, i, 0)),
            pl.BlockSpec((1, D), lambda i: (0, 0)),
        ],
        out_specs=pl.BlockSpec((BN, D), lambda i: (i, 0)),
        out_shape=jax.ShapeDtypeStruct((N, D), jnp.float32),
    )(p, bias2d)


def kernel(x, weight, w_comp, h_bias, edge_index, etypes):
    src = edge_index[0]
    dst = edge_index[1]
    h = _h_call(w_comp, x, weight)
    g2d = _g_call(etypes.reshape(E // D, D), src.reshape(E // D, D))
    partials = _sc_scatter(
        h.reshape(R * N, D),
        g2d.reshape(NW, NSB, SB, C),
        dst.reshape(NW, NSB, SB, C),
        jnp.zeros((SROWS, D), jnp.float32),
    )
    return _comb_call(partials.reshape(NC, NP, D), h_bias.reshape(1, D))

# --- scband reference (transcript-rebuilt; emitter-appended) ---
"""Pipeline reference for scband-rel-graph-conv1-37271726195521 (READ-ONLY COPY).

The authoritative reference and input builder live on the scoring server;
editing this copy changes nothing except your own understanding.
"""

import jax, jax.numpy as jnp
import numpy as np

N = 10000
E = 320000
D_IN = 128
D_OUT = 128
R = 8
B = 4


def setup_inputs(seed: int = 0) -> dict:
    key = jax.random.key(seed)
    ks = jax.random.split(key, 6)
    x = jax.random.normal(ks[0], (N, D_IN), dtype=jnp.float32)
    edge_index = jax.random.randint(ks[1], (2, E), 0, N, dtype=jnp.int32)
    etypes = jax.random.randint(ks[2], (E,), 0, R, dtype=jnp.int32)
    # basis-decomposition parameters (xavier-ish init)
    gain = np.sqrt(2.0)
    bound_w = gain * np.sqrt(6.0 / (D_IN + D_OUT))
    weight = jax.random.uniform(ks[3], (B, D_IN, D_OUT), minval=-bound_w, maxval=bound_w, dtype=jnp.float32)
    bound_c = np.sqrt(6.0 / (R + B))
    w_comp = jax.random.uniform(ks[4], (R, B), minval=-bound_c, maxval=bound_c, dtype=jnp.float32)
    h_bias = jnp.zeros((D_OUT,), dtype=jnp.float32)
    return {"x": x, "weight": weight, "w_comp": w_comp, "h_bias": h_bias, "edge_index": edge_index, "etypes": etypes}


def reference(x, weight, w_comp, h_bias, edge_index, etypes):
    # basis combination: [R, D_IN, D_OUT]
    W = jnp.matmul(w_comp, weight.reshape(B, D_IN * D_OUT)).reshape(R, D_IN, D_OUT)
    # per-relation dense transform of all node features: [R, N, D_OUT]
    h = jnp.einsum('nd,rdo->rno', x, W)
    src = edge_index[0]
    dst = edge_index[1]
    # message per edge = transformed src feature for that edge's relation (gather)
    msg = h[etypes, src]  # [E, D_OUT]
    # sum-aggregate messages at destination nodes (scatter-add)
    node_repr = jnp.zeros((N, D_OUT), dtype=x.dtype).at[dst].add(msg)
    node_repr = node_repr + h_bias
    return node_repr

if __name__ == "__main__":
    import jax
    _d = setup_inputs()
    print(jax.jit(kernel)(*tuple(_d.values())))

</pallas_src>

<mosaic_0001>
#map = affine_map<(d0, d1) -> (0, 0)>
#map1 = affine_map<(d0, d1) -> (0, 0, 0, 0)>
module attributes {stable_mosaic.version = 14 : i64} {
  func.func @_sc_scatter(%arg0: i32, %arg1: i32, %arg2: memref<80000x128xf32, #tpu.memory_space<hbm>>, %arg3: memref<32x5x25x80xi32, #tpu.memory_space<hbm>>, %arg4: memref<32x5x25x80xi32, #tpu.memory_space<hbm>>, %arg5: memref<640x128xf32, #tpu.memory_space<hbm>>, %arg6: memref<20480x128xf32, #tpu.memory_space<hbm>>, %arg7: memref<2x25x80xi32, #tpu.memory_space<vmem>>, %arg8: memref<2x25x80xi32, #tpu.memory_space<vmem>>, %arg9: memref<2x80x128xf32, #tpu.memory_space<vmem>>, %arg10: memref<10240x128xf32, #tpu.memory_space<vmem_shared>>, %arg11: memref<!tpu.dma_semaphore, #tpu.memory_space<semaphore_mem>>, %arg12: memref<!tpu.dma_semaphore, #tpu.memory_space<semaphore_mem>>, %arg13: memref<!tpu.dma_semaphore, #tpu.memory_space<semaphore_mem>>) attributes {dimension_semantics = [#tpu.dimension_semantics<core_parallel>, #tpu.dimension_semantics<subcore_parallel>], iteration_bounds = array<i64: 2, 16>, scalar_prefetch = 0 : i64, scratch_operands = 7 : i64, tpu.core_type = #tpu.core_type<sc_vector_subcore>, window_params = [{transform_indices = #map}, {transform_indices = #map1}, {transform_indices = #map1}, {transform_indices = #map}, {transform_indices = #map}]} {
    %mul3A = arith.constant 2 : i32
    %mul3A_0 = arith.muli %arg1, %mul3A : i32
    %add3A = arith.addi %mul3A_0, %arg0 : i32
    %dma_start3A = arith.constant 0 : i32
    %dma_start3A_1 = arith.constant 0 : i32
    %dma_start3A_2 = arith.constant 0 : i32
    %dma_start3A_3 = arith.constant 0 : i32
    %dma_start3A_4 = tpu.memref_slice %arg7[%dma_start3A_1, %dma_start3A_2, %dma_start3A_3] : memref<2x25x80xi32, #tpu.memory_space<vmem>> -> memref<1x25x80xi32, #tpu.memory_space<vmem>>
    %dma_start3A_5 = tpu.memref_squeeze %dma_start3A_4 : memref<1x25x80xi32, #tpu.memory_space<vmem>> -> memref<25x80xi32, #tpu.memory_space<vmem>>
    %dma_start3A_6 = arith.constant 0 : i32
    %dma_start3A_7 = arith.constant 0 : i32
    %dma_start3A_8 = tpu.memref_slice %arg3[%add3A, %dma_start3A, %dma_start3A_6, %dma_start3A_7] : memref<32x5x25x80xi32, #tpu.memory_space<hbm>> -> memref<1x1x25x80xi32, #tpu.memory_space<hbm>>
    %dma_start3A_9 = tpu.memref_squeeze %dma_start3A_8 : memref<1x1x25x80xi32, #tpu.memory_space<hbm>> -> memref<25x80xi32, #tpu.memory_space<hbm>>
    %dma_start3A_10 = arith.constant 0 : i32
    %dma_start3A_11 = arith.constant 0 : i32
    %dma_start3A_12 = tpu.memref_slice %arg7[%dma_start3A_1, %dma_start3A_10, %dma_start3A_11] : memref<2x25x80xi32, #tpu.memory_space<vmem>> -> memref<1x25x80xi32, #tpu.memory_space<vmem>>
    %dma_start3A_13 = tpu.memref_squeeze %dma_start3A_12 : memref<1x25x80xi32, #tpu.memory_space<vmem>> -> memref<25x80xi32, #tpu.memory_space<vmem>>
    %dma_start3A_14 = arith.constant 0 : i32
    %dma_start3A_15 = arith.constant 0 : i32
    %dma_start3A_16 = tpu.memref_slice %arg3[%add3A, %dma_start3A, %dma_start3A_14, %dma_start3A_15] : memref<32x5x25x80xi32, #tpu.memory_space<hbm>> -> memref<1x1x25x80xi32, #tpu.memory_space<hbm>>
    %dma_start3A_17 = tpu.memref_squeeze %dma_start3A_16 : memref<1x1x25x80xi32, #tpu.memory_space<hbm>> -> memref<25x80xi32, #tpu.memory_space<hbm>>
    tpu.enqueue_dma source(%dma_start3A_17 : memref<25x80xi32, #tpu.memory_space<hbm>>) target(%dma_start3A_13 : memref<25x80xi32, #tpu.memory_space<vmem>>) target_semaphore(%arg13 : memref<!tpu.dma_semaphore, #tpu.memory_space<semaphore_mem>>)
    %dma_start3A_18 = arith.constant 0 : i32
    %dma_start3A_19 = arith.constant 0 : i32
    %dma_start3A_20 = arith.constant 0 : i32
    %dma_start3A_21 = arith.constant 0 : i32
    %dma_start3A_22 = tpu.memref_slice %arg8[%dma_start3A_19, %dma_start3A_20, %dma_start3A_21] : memref<2x25x80xi32, #tpu.memory_space<vmem>> -> memref<1x25x80xi32, #tpu.memory_space<vmem>>
    %dma_start3A_23 = tpu.memref_squeeze %dma_start3A_22 : memref<1x25x80xi32, #tpu.memory_space<vmem>> -> memref<25x80xi32, #tpu.memory_space<vmem>>
    %dma_start3A_24 = arith.constant 0 : i32
    %dma_start3A_25 = arith.constant 0 : i32
    %dma_start3A_26 = tpu.memref_slice %arg4[%add3A, %dma_start3A_18, %dma_start3A_24, %dma_start3A_25] : memref<32x5x25x80xi32, #tpu.memory_space<hbm>> -> memref<1x1x25x80xi32, #tpu.memory_space<hbm>>
    %dma_start3A_27 = tpu.memref_squeeze %dma_start3A_26 : memref<1x1x25x80xi32, #tpu.memory_space<hbm>> -> memref<25x80xi32, #tpu.memory_space<hbm>>
    %dma_start3A_28 = arith.constant 0 : i32
    %dma_start3A_29 = arith.constant 0 : i32
    %dma_start3A_30 = tpu.memref_slice %arg8[%dma_start3A_19, %dma_start3A_28, %dma_start3A_29] : memref<2x25x80xi32, #tpu.memory_space<vmem>> -> memref<1x25x80xi32, #tpu.memory_space<vmem>>
    %dma_start3A_31 = tpu.memref_squeeze %dma_start3A_30 : memref<1x25x80xi32, #tpu.memory_space<vmem>> -> memref<25x80xi32, #tpu.memory_space<vmem>>
    %dma_start3A_32 = arith.constant 0 : i32
    %dma_start3A_33 = arith.constant 0 : i32
    %dma_start3A_34 = tpu.memref_slice %arg4[%add3A, %dma_start3A_18, %dma_start3A_32, %dma_start3A_33] : memref<32x5x25x80xi32, #tpu.memory_space<hbm>> -> memref<1x1x25x80xi32, #tpu.memory_space<hbm>>
    %dma_start3A_35 = tpu.memref_squeeze %dma_start3A_34 : memref<1x1x25x80xi32, #tpu.memory_space<hbm>> -> memref<25x80xi32, #tpu.memory_space<hbm>>
    tpu.enqueue_dma source(%dma_start3A_35 : memref<25x80xi32, #tpu.memory_space<hbm>>) target(%dma_start3A_31 : memref<25x80xi32, #tpu.memory_space<vmem>>) target_semaphore(%arg13 : memref<!tpu.dma_semaphore, #tpu.memory_space<semaphore_mem>>)
    %mul3A_36 = arith.constant 640 : i32
    %mul3A_37 = arith.muli %arg1, %mul3A_36 : i32
    "tpu.region"() ({
      %run_scoped3A = tpu.sem_alloc : memref<!tpu.dma_semaphore, #tpu.memory_space<semaphore_mem>>
      %dma_start3A_50 = arith.constant 0 : i32
      %dma_start3A_51 = tpu.memref_slice %arg10[%mul3A_37, %dma_start3A_50] : memref<10240x128xf32, #tpu.memory_space<vmem_shared>> -> memref<640x128xf32, #tpu.memory_space<vmem_shared>>
      tpu.enqueue_dma source(%arg5 : memref<640x128xf32, #tpu.memory_space<hbm>>) target(%dma_start3A_51 : memref<640x128xf32, #tpu.memory_space<vmem_shared>>) target_semaphore(%run_scoped3A : memref<!tpu.dma_semaphore, #tpu.memory_space<semaphore_mem>>)
      %dma_wait3A = arith.constant 0 : i32
      %dma_wait3A_52 = tpu.memref_slice %arg10[%mul3A_37, %dma_wait3A] : memref<10240x128xf32, #tpu.memory_space<vmem_shared>> -> memref<640x128xf32, #tpu.memory_space<vmem_shared>>
      tpu.wait_dma2 semaphore(%run_scoped3A : memref<!tpu.dma_semaphore, #tpu.memory_space<semaphore_mem>>) src(%arg5 : memref<640x128xf32, #tpu.memory_space<hbm>>) dst(%dma_wait3A_52 : memref<640x128xf32, #tpu.memory_space<vmem_shared>>)
      tpu.yield
    }) : () -> ()
    %barrier3A = arith.constant 0 : index
    tpu.barrier barrier_id(%barrier3A)
    %scan3A = arith.constant 0 : i32
    %scan3A_38 = arith.constant 5 : i32
    %scan3A_39 = arith.addi %scan3A, %scan3A_38 : i32
    %scan3A_40 = arith.constant 1 : i32
    scf.for %scan3A_50 = %scan3A to %scan3A_39 step %scan3A_40  : i32 {
      %mul3A_51 = arith.constant 1 : i32
      %mul3A_52 = arith.muli %scan3A_50, %mul3A_51 : i32
      %add3A_53 = arith.constant 0 : i32
      %add3A_54 = arith.addi %add3A_53, %mul3A_52 : i32
      %rem3A = arith.constant 2 : i32
      %rem3A_55 = arith.remsi %add3A_54, %rem3A : i32
      %dma_wait3A = arith.constant 0 : i32
      %dma_wait3A_56 = arith.constant 0 : i32
      %dma_wait3A_57 = arith.constant 0 : i32
      %dma_wait3A_58 = arith.constant 0 : i32
      %dma_wait3A_59 = tpu.memref_slice %arg7[%rem3A_55, %dma_wait3A_57, %dma_wait3A_58] : memref<2x25x80xi32, #tpu.memory_space<vmem>> -> memref<1x25x80xi32, #tpu.memory_space<vmem>>
      %dma_wait3A_60 = tpu.memref_squeeze %dma_wait3A_59 : memref<1x25x80xi32, #tpu.memory_space<vmem>> -> memref<25x80xi32, #tpu.memory_space<vmem>>
      %dma_wait3A_61 = arith.constant 0 : i32
      %dma_wait3A_62 = arith.constant 0 : i32
      %dma_wait3A_63 = tpu.memref_slice %arg3[%dma_wait3A, %dma_wait3A_56, %dma_wait3A_61, %dma_wait3A_62] : memref<32x5x25x80xi32, #tpu.memory_space<hbm>> -> memref<1x1x25x80xi32, #tpu.memory_space<hbm>>
      %dma_wait3A_64 = tpu.memref_squeeze %dma_wait3A_63 : memref<1x1x25x80xi32, #tpu.memory_space<hbm>> -> memref<25x80xi32, #tpu.memory_space<hbm>>
      %dma_wait3A_65 = arith.constant 0 : i32
      %dma_wait3A_66 = arith.constant 0 : i32
      %dma_wait3A_67 = tpu.memref_slice %arg7[%rem3A_55, %dma_wait3A_65, %dma_wait3A_66] : memref<2x25x80xi32, #tpu.memory_space<vmem>> -> memref<1x25x80xi32, #tpu.memory_space<vmem>>
      %dma_wait3A_68 = tpu.memref_squeeze %dma_wait3A_67 : memref<1x25x80xi32, #tpu.memory_space<vmem>> -> memref<25x80xi32, #tpu.memory_space<vmem>>
      %dma_wait3A_69 = arith.constant 0 : i32
      %dma_wait3A_70 = arith.constant 0 : i32
      %dma_wait3A_71 = tpu.memref_slice %arg3[%dma_wait3A, %dma_wait3A_56, %dma_wait3A_69, %dma_wait3A_70] : memref<32x5x25x80xi32, #tpu.memory_space<hbm>> -> memref<1x1x25x80xi32, #tpu.memory_space<hbm>>
      %dma_wait3A_72 = tpu.memref_squeeze %dma_wait3A_71 : memref<1x1x25x80xi32, #tpu.memory_space<hbm>> -> memref<25x80xi32, #tpu.memory_space<hbm>>
      tpu.wait_dma2 semaphore(%arg13 : memref<!tpu.dma_semaphore, #tpu.memory_space<semaphore_mem>>) src(%dma_wait3A_72 : memref<25x80xi32, #tpu.memory_space<hbm>>) dst(%dma_wait3A_68 : memref<25x80xi32, #tpu.memory_space<vmem>>)
      %dma_wait3A_73 = arith.constant 0 : i32
      %dma_wait3A_74 = arith.constant 0 : i32
      %dma_wait3A_75 = arith.constant 0 : i32
      %dma_wait3A_76 = arith.constant 0 : i32
      %dma_wait3A_77 = tpu.memref_slice %arg8[%rem3A_55, %dma_wait3A_75, %dma_wait3A_76] : memref<2x25x80xi32, #tpu.memory_space<vmem>> -> memref<1x25x80xi32, #tpu.memory_space<vmem>>
      %dma_wait3A_78 = tpu.memref_squeeze %dma_wait3A_77 : memref<1x25x80xi32, #tpu.memory_space<vmem>> -> memref<25x80xi32, #tpu.memory_space<vmem>>
      %dma_wait3A_79 = arith.constant 0 : i32
      %dma_wait3A_80 = arith.constant 0 : i32
      %dma_wait3A_81 = tpu.memref_slice %arg4[%dma_wait3A_73, %dma_wait3A_74, %dma_wait3A_79, %dma_wait3A_80] : memref<32x5x25x80xi32, #tpu.memory_space<hbm>> -> memref<1x1x25x80xi32, #tpu.memory_space<hbm>>
      %dma_wait3A_82 = tpu.memref_squeeze %dma_wait3A_81 : memref<1x1x25x80xi32, #tpu.memory_space<hbm>> -> memref<25x80xi32, #tpu.memory_space<hbm>>
      %dma_wait3A_83 = arith.constant 0 : i32
      %dma_wait3A_84 = arith.constant 0 : i32
      %dma_wait3A_85 = tpu.memref_slice %arg8[%rem3A_55, %dma_wait3A_83, %dma_wait3A_84] : memref<2x25x80xi32, #tpu.memory_space<vmem>> -> memref<1x25x80xi32, #tpu.memory_space<vmem>>
      %dma_wait3A_86 = tpu.memref_squeeze %dma_wait3A_85 : memref<1x25x80xi32, #tpu.memory_space<vmem>> -> memref<25x80xi32, #tpu.memory_space<vmem>>
      %dma_wait3A_87 = arith.constant 0 : i32
      %dma_wait3A_88 = arith.constant 0 : i32
      %dma_wait3A_89 = tpu.memref_slice %arg4[%dma_wait3A_73, %dma_wait3A_74, %dma_wait3A_87, %dma_wait3A_88] : memref<32x5x25x80xi32, #tpu.memory_space<hbm>> -> memref<1x1x25x80xi32, #tpu.memory_space<hbm>>
      %dma_wait3A_90 = tpu.memref_squeeze %dma_wait3A_89 : memref<1x1x25x80xi32, #tpu.memory_space<hbm>> -> memref<25x80xi32, #tpu.memory_space<hbm>>
      tpu.wait_dma2 semaphore(%arg13 : memref<!tpu.dma_semaphore, #tpu.memory_space<semaphore_mem>>) src(%dma_wait3A_90 : memref<25x80xi32, #tpu.memory_space<hbm>>) dst(%dma_wait3A_86 : memref<25x80xi32, #tpu.memory_space<vmem>>)
      %lt3A = arith.constant 4 : i32
      %lt3A_91 = arith.cmpi slt, %add3A_54, %lt3A : i32
      %convert_element_type3A = arith.extui %lt3A_91 : i1 to i32
      %cond3A = arith.constant 0 : i32
      %cond3A_92 = arith.cmpi ne, %convert_element_type3A, %cond3A : i32
      scf.if %cond3A_92 {
        %add3A_124 = arith.constant 1 : i32
        %add3A_125 = arith.addi %add3A_54, %add3A_124 : i32
        %sub3A = arith.constant 1 : i32
        %sub3A_126 = arith.subi %sub3A, %rem3A_55 : i32
        %dma_start3A_127 = arith.constant 0 : i32
        %dma_start3A_128 = arith.constant 0 : i32
        %dma_start3A_129 = tpu.memref_slice %arg7[%sub3A_126, %dma_start3A_127, %dma_start3A_128] : memref<2x25x80xi32, #tpu.memory_space<vmem>> -> memref<1x25x80xi32, #tpu.memory_space<vmem>>
        %dma_start3A_130 = tpu.memref_squeeze %dma_start3A_129 : memref<1x25x80xi32, #tpu.memory_space<vmem>> -> memref<25x80xi32, #tpu.memory_space<vmem>>
        %dma_start3A_131 = arith.constant 0 : i32
        %dma_start3A_132 = arith.constant 0 : i32
        %dma_start3A_133 = tpu.memref_slice %arg3[%add3A, %add3A_125, %dma_start3A_131, %dma_start3A_132] : memref<32x5x25x80xi32, #tpu.memory_space<hbm>> -> memref<1x1x25x80xi32, #tpu.memory_space<hbm>>
        %dma_start3A_134 = tpu.memref_squeeze %dma_start3A_133 : memref<1x1x25x80xi32, #tpu.memory_space<hbm>> -> memref<25x80xi32, #tpu.memory_space<hbm>>
        %dma_start3A_135 = arith.constant 0 : i32
        %dma_start3A_136 = arith.constant 0 : i32
        %dma_start3A_137 = tpu.memref_slice %arg7[%sub3A_126, %dma_start3A_135, %dma_start3A_136] : memref<2x25x80xi32, #tpu.memory_space<vmem>> -> memref<1x25x80xi32, #tpu.memory_space<vmem>>
        %dma_start3A_138 = tpu.memref_squeeze %dma_start3A_137 : memref<1x25x80xi32, #tpu.memory_space<vmem>> -> memref<25x80xi32, #tpu.memory_space<vmem>>
        %dma_start3A_139 = arith.constant 0 : i32
        %dma_start3A_140 = arith.constant 0 : i32
        %dma_start3A_141 = tpu.memref_slice %arg3[%add3A, %add3A_125, %dma_start3A_139, %dma_start3A_140] : memref<32x5x25x80xi32, #tpu.memory_space<hbm>> -> memref<1x1x25x80xi32, #tpu.memory_space<hbm>>
        %dma_start3A_142 = tpu.memref_squeeze %dma_start3A_141 : memref<1x1x25x80xi32, #tpu.memory_space<hbm>> -> memref<25x80xi32, #tpu.memory_space<hbm>>
        tpu.enqueue_dma source(%dma_start3A_142 : memref<25x80xi32, #tpu.memory_space<hbm>>) target(%dma_start3A_138 : memref<25x80xi32, #tpu.memory_space<vmem>>) target_semaphore(%arg13 : memref<!tpu.dma_semaphore, #tpu.memory_space<semaphore_mem>>)
        %dma_start3A_143 = arith.constant 0 : i32
        %dma_start3A_144 = arith.constant 0 : i32
        %dma_start3A_145 = tpu.memref_slice %arg8[%sub3A_126, %dma_start3A_143, %dma_start3A_144] : memref<2x25x80xi32, #tpu.memory_space<vmem>> -> memref<1x25x80xi32, #tpu.memory_space<vmem>>
        %dma_start3A_146 = tpu.memref_squeeze %dma_start3A_145 : memref<1x25x80xi32, #tpu.memory_space<vmem>> -> memref<25x80xi32, #tpu.memory_space<vmem>>
        %dma_start3A_147 = arith.constant 0 : i32
        %dma_start3A_148 = arith.constant 0 : i32
        %dma_start3A_149 = tpu.memref_slice %arg4[%add3A, %add3A_125, %dma_start3A_147, %dma_start3A_148] : memref<32x5x25x80xi32, #tpu.memory_space<hbm>> -> memref<1x1x25x80xi32, #tpu.memory_space<hbm>>
        %dma_start3A_150 = tpu.memref_squeeze %dma_start3A_149 : memref<1x1x25x80xi32, #tpu.memory_space<hbm>> -> memref<25x80xi32, #tpu.memory_space<hbm>>
        %dma_start3A_151 = arith.constant 0 : i32
        %dma_start3A_152 = arith.constant 0 : i32
        %dma_start3A_153 = tpu.memref_slice %arg8[%sub3A_126, %dma_start3A_151, %dma_start3A_152] : memref<2x25x80xi32, #tpu.memory_space<vmem>> -> memref<1x25x80xi32, #tpu.memory_space<vmem>>
        %dma_start3A_154 = tpu.memref_squeeze %dma_start3A_153 : memref<1x25x80xi32, #tpu.memory_space<vmem>> -> memref<25x80xi32, #tpu.memory_space<vmem>>
        %dma_start3A_155 = arith.constant 0 : i32
        %dma_start3A_156 = arith.constant 0 : i32
        %dma_start3A_157 = tpu.memref_slice %arg4[%add3A, %add3A_125, %dma_start3A_155, %dma_start3A_156] : memref<32x5x25x80xi32, #tpu.memory_space<hbm>> -> memref<1x1x25x80xi32, #tpu.memory_space<hbm>>
        %dma_start3A_158 = tpu.memref_squeeze %dma_start3A_157 : memref<1x1x25x80xi32, #tpu.memory_space<hbm>> -> memref<25x80xi32, #tpu.memory_space<hbm>>
        tpu.enqueue_dma source(%dma_start3A_158 : memref<25x80xi32, #tpu.memory_space<hbm>>) target(%dma_start3A_154 : memref<25x80xi32, #tpu.memory_space<vmem>>) target_semaphore(%arg13 : memref<!tpu.dma_semaphore, #tpu.memory_space<semaphore_mem>>)
      } else {
      }
      %dma_start3A_93 = arith.constant 0 : i32
      %dma_start3A_94 = arith.constant 0 : i32
      %dma_start3A_95 = arith.constant 0 : i32
      %dma_start3A_96 = arith.constant 0 : i32
      %dma_start3A_97 = tpu.memref_slice %arg9[%dma_start3A_94, %dma_start3A_95, %dma_start3A_96] : memref<2x80x128xf32, #tpu.memory_space<vmem>> -> memref<1x80x128xf32, #tpu.memory_space<vmem>>
      %dma_start3A_98 = tpu.memref_squeeze %dma_start3A_97 : memref<1x80x128xf32, #tpu.memory_space<vmem>> -> memref<80x128xf32, #tpu.memory_space<vmem>>
      %dma_start3A_99 = arith.constant 0 : i32
      %dma_start3A_100 = tpu.memref_slice %arg7[%rem3A_55, %dma_start3A_93, %dma_start3A_99] : memref<2x25x80xi32, #tpu.memory_space<vmem>> -> memref<1x1x80xi32, #tpu.memory_space<vmem>>
      %dma_start3A_101 = tpu.memref_squeeze %dma_start3A_100 : memref<1x1x80xi32, #tpu.memory_space<vmem>> -> memref<80xi32, #tpu.memory_space<vmem>>
      %dma_start3A_102 = arith.constant 0 : i32
      %dma_start3A_103 = arith.constant 0 : i32
      %dma_start3A_104 = tpu.memref_slice %arg2[%dma_start3A_102, %dma_start3A_103] : memref<80000x128xf32, #tpu.memory_space<hbm>> -> memref<80000x128xf32, #tpu.memory_space<hbm>>
      tpu.enqueue_indirect_dma source(%dma_start3A_104 : memref<80000x128xf32, #tpu.memory_space<hbm>>) target(%dma_start3A_98 : memref<80x128xf32, #tpu.memory_space<vmem>>) offsets(%dma_start3A_101 : memref<80xi32, #tpu.memory_space<vmem>>) semaphore(%arg11 : memref<!tpu.dma_semaphore, #tpu.memory_space<semaphore_mem>>)
      %scan3A_105 = arith.constant 0 : i32
      %scan3A_106 = arith.constant 12 : i32
      %scan3A_107 = arith.addi %scan3A_105, %scan3A_106 : i32
      %scan3A_108 = arith.constant 1 : i32
      scf.for %scan3A_124 = %scan3A_105 to %scan3A_107 step %scan3A_108  : i32 {
        %mul3A_125 = arith.constant 1 : i32
        %mul3A_126 = arith.muli %scan3A_124, %mul3A_125 : i32
        %add3A_127 = arith.constant 0 : i32
        %add3A_128 = arith.addi %add3A_127, %mul3A_126 : i32
        %mul3A_129 = arith.constant 2 : i32
        %mul3A_130 = arith.muli %mul3A_129, %add3A_128 : i32
        %add3A_131 = arith.constant 1 : i32
        %add3A_132 = arith.addi %add3A_131, %mul3A_130 : i32
        %dma_wait3A_133 = arith.constant 0 : i32
        %dma_wait3A_134 = arith.constant 0 : i32
        %dma_wait3A_135 = arith.constant 0 : i32
        %dma_wait3A_136 = arith.constant 0 : i32
        %dma_wait3A_137 = arith.constant 0 : i32
        %dma_wait3A_138 = tpu.memref_slice %arg9[%dma_wait3A_135, %dma_wait3A_136, %dma_wait3A_137] : memref<2x80x128xf32, #tpu.memory_space<vmem>> -> memref<1x80x128xf32, #tpu.memory_space<vmem>>
        %dma_wait3A_139 = tpu.memref_squeeze %dma_wait3A_138 : memref<1x80x128xf32, #tpu.memory_space<vmem>> -> memref<80x128xf32, #tpu.memory_space<vmem>>
        %dma_wait3A_140 = arith.constant 0 : i32
        %dma_wait3A_141 = tpu.memref_slice %arg7[%dma_wait3A_133, %dma_wait3A_134, %dma_wait3A_140] : memref<2x25x80xi32, #tpu.memory_space<vmem>> -> memref<1x1x80xi32, #tpu.memory_space<vmem>>
        %dma_wait3A_142 = tpu.memref_squeeze %dma_wait3A_141 : memref<1x1x80xi32, #tpu.memory_space<vmem>> -> memref<80xi32, #tpu.memory_space<vmem>>
        %dma_wait3A_143 = arith.constant 0 : i32
        %dma_wait3A_144 = arith.constant 0 : i32
        %dma_wait3A_145 = tpu.memref_slice %arg2[%dma_wait3A_143, %dma_wait3A_144] : memref<80000x128xf32, #tpu.memory_space<hbm>> -> memref<80000x128xf32, #tpu.memory_space<hbm>>
        tpu.wait_indirect_dma semaphore(%arg11 : memref<!tpu.dma_semaphore, #tpu.memory_space<semaphore_mem>>) src(%dma_wait3A_145 : memref<80000x128xf32, #tpu.memory_space<hbm>>) dst(%dma_wait3A_139 : memref<80x128xf32, #tpu.memory_space<vmem>>)
        %dma_start3A_146 = arith.constant 1 : i32
        %dma_start3A_147 = arith.constant 0 : i32
        %dma_start3A_148 = arith.constant 0 : i32
        %dma_start3A_149 = tpu.memref_slice %arg9[%dma_start3A_146, %dma_start3A_147, %dma_start3A_148] : memref<2x80x128xf32, #tpu.memory_space<vmem>> -> memref<1x80x128xf32, #tpu.memory_space<vmem>>
        %dma_start3A_150 = tpu.memref_squeeze %dma_start3A_149 : memref<1x80x128xf32, #tpu.memory_space<vmem>> -> memref<80x128xf32, #tpu.memory_space<vmem>>
        %dma_start3A_151 = arith.constant 0 : i32
        %dma_start3A_152 = tpu.memref_slice %arg7[%rem3A_55, %add3A_132, %dma_start3A_151] : memref<2x25x80xi32, #tpu.memory_space<vmem>> -> memref<1x1x80xi32, #tpu.memory_space<vmem>>
        %dma_start3A_153 = tpu.memref_squeeze %dma_start3A_152 : memref<1x1x80xi32, #tpu.memory_space<vmem>> -> memref<80xi32, #tpu.memory_space<vmem>>
        %dma_start3A_154 = arith.constant 0 : i32
        %dma_start3A_155 = arith.constant 0 : i32
        %dma_start3A_156 = tpu.memref_slice %arg2[%dma_start3A_154, %dma_start3A_155] : memref<80000x128xf32, #tpu.memory_space<hbm>> -> memref<80000x128xf32, #tpu.memory_space<hbm>>
        tpu.enqueue_indirect_dma source(%dma_start3A_156 : memref<80000x128xf32, #tpu.memory_space<hbm>>) target(%dma_start3A_150 : memref<80x128xf32, #tpu.memory_space<vmem>>) offsets(%dma_start3A_153 : memref<80xi32, #tpu.memory_space<vmem>>) semaphore(%arg12 : memref<!tpu.dma_semaphore, #tpu.memory_space<semaphore_mem>>)
        %sub3A = arith.constant 1 : i32
        %sub3A_157 = arith.subi %add3A_132, %sub3A : i32
        %run_scoped3A_158 = arith.constant 0 : i32
        "tpu.region"() ({
          %run_scoped3A_186 = tpu.sem_alloc : memref<!tpu.dma_semaphore, #tpu.memory_space<semaphore_mem>>
          %dma_start3A_187 = arith.constant 0 : i32
          %dma_start3A_188 = arith.constant 0 : i32
          %dma_start3A_189 = tpu.memref_slice %arg9[%run_scoped3A_158, %dma_start3A_187, %dma_start3A_188] : memref<2x80x128xf32, #tpu.memory_space<vmem>> -> memref<1x80x128xf32, #tpu.memory_space<vmem>>
          %dma_start3A_190 = tpu.memref_squeeze %dma_start3A_189 : memref<1x80x128xf32, #tpu.memory_space<vmem>> -> memref<80x128xf32, #tpu.memory_space<vmem>>
          %dma_start3A_191 = arith.constant 0 : i32
          %dma_start3A_192 = tpu.memref_slice %arg8[%rem3A_55, %sub3A_157, %dma_start3A_191] : memref<2x25x80xi32, #tpu.memory_space<vmem>> -> memref<1x1x80xi32, #tpu.memory_space<vmem>>
          %dma_start3A_193 = tpu.memref_squeeze %dma_start3A_192 : memref<1x1x80xi32, #tpu.memory_space<vmem>> -> memref<80xi32, #tpu.memory_space<vmem>>
          %dma_start3A_194 = arith.constant 0 : i32
          %dma_start3A_195 = arith.constant 0 : i32
          %dma_start3A_196 = tpu.memref_slice %arg10[%dma_start3A_194, %dma_start3A_195] : memref<10240x128xf32, #tpu.memory_space<vmem_shared>> -> memref<10240x128xf32, #tpu.memory_space<vmem_shared>>
          tpu.enqueue_indirect_dma source(%dma_start3A_190 : memref<80x128xf32, #tpu.memory_space<vmem>>) target(%dma_start3A_196 : memref<10240x128xf32, #tpu.memory_space<vmem_shared>>) offsets(%dma_start3A_193 : memref<80xi32, #tpu.memory_space<vmem>>) semaphore(%run_scoped3A_186 : memref<!tpu.dma_semaphore, #tpu.memory_space<semaphore_mem>>) {add = true}
          %dma_wait3A_197 = arith.constant 0 : i32
          %dma_wait3A_198 = arith.constant 0 : i32
          %dma_wait3A_199 = tpu.memref_slice %arg9[%run_scoped3A_158, %dma_wait3A_197, %dma_wait3A_198] : memref<2x80x128xf32, #tpu.memory_space<vmem>> -> memref<1x80x128xf32, #tpu.memory_space<vmem>>
          %dma_wait3A_200 = tpu.memref_squeeze %dma_wait3A_199 : memref<1x80x128xf32, #tpu.memory_space<vmem>> -> memref<80x128xf32, #tpu.memory_space<vmem>>
          %dma_wait3A_201 = arith.constant 0 : i32
          %dma_wait3A_202 = tpu.memref_slice %arg8[%rem3A_55, %sub3A_157, %dma_wait3A_201] : memref<2x25x80xi32, #tpu.memory_space<vmem>> -> memref<1x1x80xi32, #tpu.memory_space<vmem>>
          %dma_wait3A_203 = tpu.memref_squeeze %dma_wait3A_202 : memref<1x1x80xi32, #tpu.memory_space<vmem>> -> memref<80xi32, #tpu.memory_space<vmem>>
          %dma_wait3A_204 = arith.constant 0 : i32
          %dma_wait3A_205 = arith.constant 0 : i32
          %dma_wait3A_206 = tpu.memref_slice %arg10[%dma_wait3A_204, %dma_wait3A_205] : memref<10240x128xf32, #tpu.memory_space<vmem_shared>> -> memref<10240x128xf32, #tpu.memory_space<vmem_shared>>
          tpu.wait_indirect_dma semaphore(%run_scoped3A_186 : memref<!tpu.dma_semaphore, #tpu.memory_space<semaphore_mem>>) src(%dma_wait3A_200 : memref<80x128xf32, #tpu.memory_space<vmem>>) dst(%dma_wait3A_206 : memref<10240x128xf32, #tpu.memory_space<vmem_shared>>)
          tpu.yield
        }) : () -> ()
        %dma_wait3A_159 = arith.constant 0 : i32
        %dma_wait3A_160 = arith.constant 0 : i32
        %dma_wait3A_161 = arith.constant 1 : i32
        %dma_wait3A_162 = arith.constant 0 : i32
        %dma_wait3A_163 = arith.constant 0 : i32
        %dma_wait3A_164 = tpu.memref_slice %arg9[%dma_wait3A_161, %dma_wait3A_162, %dma_wait3A_163] : memref<2x80x128xf32, #tpu.memory_space<vmem>> -> memref<1x80x128xf32, #tpu.memory_space<vmem>>
        %dma_wait3A_165 = tpu.memref_squeeze %dma_wait3A_164 : memref<1x80x128xf32, #tpu.memory_space<vmem>> -> memref<80x128xf32, #tpu.memory_space<vmem>>
        %dma_wait3A_166 = arith.constant 0 : i32
        %dma_wait3A_167 = tpu.memref_slice %arg7[%dma_wait3A_159, %dma_wait3A_160, %dma_wait3A_166] : memref<2x25x80xi32, #tpu.memory_space<vmem>> -> memref<1x1x80xi32, #tpu.memory_space<vmem>>
        %dma_wait3A_168 = tpu.memref_squeeze %dma_wait3A_167 : memref<1x1x80xi32, #tpu.memory_space<vmem>> -> memref<80xi32, #tpu.memory_space<vmem>>
        %dma_wait3A_169 = arith.constant 0 : i32
        %dma_wait3A_170 = arith.constant 0 : i32
        %dma_wait3A_171 = tpu.memref_slice %arg2[%dma_wait3A_169, %dma_wait3A_170] : memref<80000x128xf32, #tpu.memory_space<hbm>> -> memref<80000x128xf32, #tpu.memory_space<hbm>>
        tpu.wait_indirect_dma semaphore(%arg12 : memref<!tpu.dma_semaphore, #tpu.memory_space<semaphore_mem>>) src(%dma_wait3A_171 : memref<80000x128xf32, #tpu.memory_space<hbm>>) dst(%dma_wait3A_165 : memref<80x128xf32, #tpu.memory_space<vmem>>)
        %add3A_172 = arith.constant 1 : i32
        %add3A_173 = arith.addi %add3A_132, %add3A_172 : i32
        %dma_start3A_174 = arith.constant 0 : i32
        %dma_start3A_175 = arith.constant 0 : i32
        %dma_start3A_176 = arith.constant 0 : i32
        %dma_start3A_177 = tpu.memref_slice %arg9[%dma_start3A_174, %dma_start3A_175, %dma_start3A_176] : memref<2x80x128xf32, #tpu.memory_space<vmem>> -> memref<1x80x128xf32, #tpu.memory_space<vmem>>
        %dma_start3A_178 = tpu.memref_squeeze %dma_start3A_177 : memref<1x80x128xf32, #tpu.memory_space<vmem>> -> memref<80x128xf32, #tpu.memory_space<vmem>>
        %dma_start3A_179 = arith.constant 0 : i32
        %dma_start3A_180 = tpu.memref_slice %arg7[%rem3A_55, %add3A_173, %dma_start3A_179] : memref<2x25x80xi32, #tpu.memory_space<vmem>> -> memref<1x1x80xi32, #tpu.memory_space<vmem>>
        %dma_start3A_181 = tpu.memref_squeeze %dma_start3A_180 : memref<1x1x80xi32, #tpu.memory_space<vmem>> -> memref<80xi32, #tpu.memory_space<vmem>>
        %dma_start3A_182 = arith.constant 0 : i32
        %dma_start3A_183 = arith.constant 0 : i32
        %dma_start3A_184 = tpu.memref_slice %arg2[%dma_start3A_182, %dma_start3A_183] : memref<80000x128xf32, #tpu.memory_space<hbm>> -> memref<80000x128xf32, #tpu.memory_space<hbm>>
        tpu.enqueue_indirect_dma source(%dma_start3A_184 : memref<80000x128xf32, #tpu.memory_space<hbm>>) target(%dma_start3A_178 : memref<80x128xf32, #tpu.memory_space<vmem>>) offsets(%dma_start3A_181 : memref<80xi32, #tpu.memory_space<vmem>>) semaphore(%arg11 : memref<!tpu.dma_semaphore, #tpu.memory_space<semaphore_mem>>)
        %run_scoped3A_185 = arith.constant 1 : i32
        "tpu.region"() ({
          %run_scoped3A_186 = tpu.sem_alloc : memref<!tpu.dma_semaphore, #tpu.memory_space<semaphore_mem>>
          %dma_start3A_187 = arith.constant 0 : i32
          %dma_start3A_188 = arith.constant 0 : i32
          %dma_start3A_189 = tpu.memref_slice %arg9[%run_scoped3A_185, %dma_start3A_187, %dma_start3A_188] : memref<2x80x128xf32, #tpu.memory_space<vmem>> -> memref<1x80x128xf32, #tpu.memory_space<vmem>>
          %dma_start3A_190 = tpu.memref_squeeze %dma_start3A_189 : memref<1x80x128xf32, #tpu.memory_space<vmem>> -> memref<80x128xf32, #tpu.memory_space<vmem>>
          %dma_start3A_191 = arith.constant 0 : i32
          %dma_start3A_192 = tpu.memref_slice %arg8[%rem3A_55, %add3A_132, %dma_start3A_191] : memref<2x25x80xi32, #tpu.memory_space<vmem>> -> memref<1x1x80xi32, #tpu.memory_space<vmem>>
          %dma_start3A_193 = tpu.memref_squeeze %dma_start3A_192 : memref<1x1x80xi32, #tpu.memory_space<vmem>> -> memref<80xi32, #tpu.memory_space<vmem>>
          %dma_start3A_194 = arith.constant 0 : i32
          %dma_start3A_195 = arith.constant 0 : i32
          %dma_start3A_196 = tpu.memref_slice %arg10[%dma_start3A_194, %dma_start3A_195] : memref<10240x128xf32, #tpu.memory_space<vmem_shared>> -> memref<10240x128xf32, #tpu.memory_space<vmem_shared>>
          tpu.enqueue_indirect_dma source(%dma_start3A_190 : memref<80x128xf32, #tpu.memory_space<vmem>>) target(%dma_start3A_196 : memref<10240x128xf32, #tpu.memory_space<vmem_shared>>) offsets(%dma_start3A_193 : memref<80xi32, #tpu.memory_space<vmem>>) semaphore(%run_scoped3A_186 : memref<!tpu.dma_semaphore, #tpu.memory_space<semaphore_mem>>) {add = true}
          %dma_wait3A_197 = arith.constant 0 : i32
          %dma_wait3A_198 = arith.constant 0 : i32
          %dma_wait3A_199 = tpu.memref_slice %arg9[%run_scoped3A_185, %dma_wait3A_197, %dma_wait3A_198] : memref<2x80x128xf32, #tpu.memory_space<vmem>> -> memref<1x80x128xf32, #tpu.memory_space<vmem>>
          %dma_wait3A_200 = tpu.memref_squeeze %dma_wait3A_199 : memref<1x80x128xf32, #tpu.memory_space<vmem>> -> memref<80x128xf32, #tpu.memory_space<vmem>>
          %dma_wait3A_201 = arith.constant 0 : i32
          %dma_wait3A_202 = tpu.memref_slice %arg8[%rem3A_55, %add3A_132, %dma_wait3A_201] : memref<2x25x80xi32, #tpu.memory_space<vmem>> -> memref<1x1x80xi32, #tpu.memory_space<vmem>>
          %dma_wait3A_203 = tpu.memref_squeeze %dma_wait3A_202 : memref<1x1x80xi32, #tpu.memory_space<vmem>> -> memref<80xi32, #tpu.memory_space<vmem>>
          %dma_wait3A_204 = arith.constant 0 : i32
          %dma_wait3A_205 = arith.constant 0 : i32
          %dma_wait3A_206 = tpu.memref_slice %arg10[%dma_wait3A_204, %dma_wait3A_205] : memref<10240x128xf32, #tpu.memory_space<vmem_shared>> -> memref<10240x128xf32, #tpu.memory_space<vmem_shared>>
          tpu.wait_indirect_dma semaphore(%run_scoped3A_186 : memref<!tpu.dma_semaphore, #tpu.memory_space<semaphore_mem>>) src(%dma_wait3A_200 : memref<80x128xf32, #tpu.memory_space<vmem>>) dst(%dma_wait3A_206 : memref<10240x128xf32, #tpu.memory_space<vmem_shared>>)
          tpu.yield
        }) : () -> ()
      }
      %scan3A_109 = arith.constant 12 : i32
      %dma_wait3A_110 = arith.constant 0 : i32
      %dma_wait3A_111 = arith.constant 0 : i32
      %dma_wait3A_112 = arith.constant 0 : i32
      %dma_wait3A_113 = arith.constant 0 : i32
      %dma_wait3A_114 = arith.constant 0 : i32
      %dma_wait3A_115 = tpu.memref_slice %arg9[%dma_wait3A_112, %dma_wait3A_113, %dma_wait3A_114] : memref<2x80x128xf32, #tpu.memory_space<vmem>> -> memref<1x80x128xf32, #tpu.memory_space<vmem>>
      %dma_wait3A_116 = tpu.memref_squeeze %dma_wait3A_115 : memref<1x80x128xf32, #tpu.memory_space<vmem>> -> memref<80x128xf32, #tpu.memory_space<vmem>>
      %dma_wait3A_117 = arith.constant 0 : i32
      %dma_wait3A_118 = tpu.memref_slice %arg7[%dma_wait3A_110, %dma_wait3A_111, %dma_wait3A_117] : memref<2x25x80xi32, #tpu.memory_space<vmem>> -> memref<1x1x80xi32, #tpu.memory_space<vmem>>
      %dma_wait3A_119 = tpu.memref_squeeze %dma_wait3A_118 : memref<1x1x80xi32, #tpu.memory_space<vmem>> -> memref<80xi32, #tpu.memory_space<vmem>>
      %dma_wait3A_120 = arith.constant 0 : i32
      %dma_wait3A_121 = arith.constant 0 : i32
      %dma_wait3A_122 = tpu.memref_slice %arg2[%dma_wait3A_120, %dma_wait3A_121] : memref<80000x128xf32, #tpu.memory_space<hbm>> -> memref<80000x128xf32, #tpu.memory_space<hbm>>
      tpu.wait_indirect_dma semaphore(%arg11 : memref<!tpu.dma_semaphore, #tpu.memory_space<semaphore_mem>>) src(%dma_wait3A_122 : memref<80000x128xf32, #tpu.memory_space<hbm>>) dst(%dma_wait3A_116 : memref<80x128xf32, #tpu.memory_space<vmem>>)
      %run_scoped3A = arith.constant 0 : i32
      %run_scoped3A_123 = arith.constant 24 : i32
      "tpu.region"() ({
        %run_scoped3A_124 = tpu.sem_alloc : memref<!tpu.dma_semaphore, #tpu.memory_space<semaphore_mem>>
        %dma_start3A_125 = arith.constant 0 : i32
        %dma_start3A_126 = arith.constant 0 : i32
        %dma_start3A_127 = tpu.memref_slice %arg9[%run_scoped3A, %dma_start3A_125, %dma_start3A_126] : memref<2x80x128xf32, #tpu.memory_space<vmem>> -> memref<1x80x128xf32, #tpu.memory_space<vmem>>
        %dma_start3A_128 = tpu.memref_squeeze %dma_start3A_127 : memref<1x80x128xf32, #tpu.memory_space<vmem>> -> memref<80x128xf32, #tpu.memory_space<vmem>>
        %dma_start3A_129 = arith.constant 0 : i32
        %dma_start3A_130 = tpu.memref_slice %arg8[%rem3A_55, %run_scoped3A_123, %dma_start3A_129] : memref<2x25x80xi32, #tpu.memory_space<vmem>> -> memref<1x1x80xi32, #tpu.memory_space<vmem>>
        %dma_start3A_131 = tpu.memref_squeeze %dma_start3A_130 : memref<1x1x80xi32, #tpu.memory_space<vmem>> -> memref<80xi32, #tpu.memory_space<vmem>>
        %dma_start3A_132 = arith.constant 0 : i32
        %dma_start3A_133 = arith.constant 0 : i32
        %dma_start3A_134 = tpu.memref_slice %arg10[%dma_start3A_132, %dma_start3A_133] : memref<10240x128xf32, #tpu.memory_space<vmem_shared>> -> memref<10240x128xf32, #tpu.memory_space<vmem_shared>>
        tpu.enqueue_indirect_dma source(%dma_start3A_128 : memref<80x128xf32, #tpu.memory_space<vmem>>) target(%dma_start3A_134 : memref<10240x128xf32, #tpu.memory_space<vmem_shared>>) offsets(%dma_start3A_131 : memref<80xi32, #tpu.memory_space<vmem>>) semaphore(%run_scoped3A_124 : memref<!tpu.dma_semaphore, #tpu.memory_space<semaphore_mem>>) {add = true}
        %dma_wait3A_135 = arith.constant 0 : i32
        %dma_wait3A_136 = arith.constant 0 : i32
        %dma_wait3A_137 = tpu.memref_slice %arg9[%run_scoped3A, %dma_wait3A_135, %dma_wait3A_136] : memref<2x80x128xf32, #tpu.memory_space<vmem>> -> memref<1x80x128xf32, #tpu.memory_space<vmem>>
        %dma_wait3A_138 = tpu.memref_squeeze %dma_wait3A_137 : memref<1x80x128xf32, #tpu.memory_space<vmem>> -> memref<80x128xf32, #tpu.memory_space<vmem>>
        %dma_wait3A_139 = arith.constant 0 : i32
        %dma_wait3A_140 = tpu.memref_slice %arg8[%rem3A_55, %run_scoped3A_123, %dma_wait3A_139] : memref<2x25x80xi32, #tpu.memory_space<vmem>> -> memref<1x1x80xi32, #tpu.memory_space<vmem>>
        %dma_wait3A_141 = tpu.memref_squeeze %dma_wait3A_140 : memref<1x1x80xi32, #tpu.memory_space<vmem>> -> memref<80xi32, #tpu.memory_space<vmem>>
        %dma_wait3A_142 = arith.constant 0 : i32
        %dma_wait3A_143 = arith.constant 0 : i32
        %dma_wait3A_144 = tpu.memref_slice %arg10[%dma_wait3A_142, %dma_wait3A_143] : memref<10240x128xf32, #tpu.memory_space<vmem_shared>> -> memref<10240x128xf32, #tpu.memory_space<vmem_shared>>
        tpu.wait_indirect_dma semaphore(%run_scoped3A_124 : memref<!tpu.dma_semaphore, #tpu.memory_space<semaphore_mem>>) src(%dma_wait3A_138 : memref<80x128xf32, #tpu.memory_space<vmem>>) dst(%dma_wait3A_144 : memref<10240x128xf32, #tpu.memory_space<vmem_shared>>)
        tpu.yield
      }) : () -> ()
    }
    %scan3A_41 = arith.constant 5 : i32
    %barrier3A_42 = arith.constant 0 : index
    tpu.barrier barrier_id(%barrier3A_42)
    %mul3A_43 = arith.constant 640 : i32
    %mul3A_44 = arith.muli %arg1, %mul3A_43 : i32
    %mul3A_45 = arith.constant 10240 : i32
    %mul3A_46 = arith.muli %arg0, %mul3A_45 : i32
    %mul3A_47 = arith.constant 640 : i32
    %mul3A_48 = arith.muli %arg1, %mul3A_47 : i32
    %add3A_49 = arith.addi %mul3A_46, %mul3A_48 : i32
    "tpu.region"() ({
      %run_scoped3A = tpu.sem_alloc : memref<!tpu.dma_semaphore, #tpu.memory_space<semaphore_mem>>
      %dma_start3A_50 = arith.constant 0 : i32
      %dma_start3A_51 = tpu.memref_slice %arg6[%add3A_49, %dma_start3A_50] : memref<20480x128xf32, #tpu.memory_space<hbm>> -> memref<640x128xf32, #tpu.memory_space<hbm>>
      %dma_start3A_52 = arith.constant 0 : i32
      %dma_start3A_53 = tpu.memref_slice %arg10[%mul3A_44, %dma_start3A_52] : memref<10240x128xf32, #tpu.memory_space<vmem_shared>> -> memref<640x128xf32, #tpu.memory_space<vmem_shared>>
      tpu.enqueue_dma source(%dma_start3A_53 : memref<640x128xf32, #tpu.memory_space<vmem_shared>>) target(%dma_start3A_51 : memref<640x128xf32, #tpu.memory_space<hbm>>) target_semaphore(%run_scoped3A : memref<!tpu.dma_semaphore, #tpu.memory_space<semaphore_mem>>)
      %dma_wait3A = arith.constant 0 : i32
      %dma_wait3A_54 = tpu.memref_slice %arg6[%add3A_49, %dma_wait3A] : memref<20480x128xf32, #tpu.memory_space<hbm>> -> memref<640x128xf32, #tpu.memory_space<hbm>>
      %dma_wait3A_55 = arith.constant 0 : i32
      %dma_wait3A_56 = tpu.memref_slice %arg10[%mul3A_44, %dma_wait3A_55] : memref<10240x128xf32, #tpu.memory_space<vmem_shared>> -> memref<640x128xf32, #tpu.memory_space<vmem_shared>>
      tpu.wait_dma2 semaphore(%run_scoped3A : memref<!tpu.dma_semaphore, #tpu.memory_space<semaphore_mem>>) src(%dma_wait3A_56 : memref<640x128xf32, #tpu.memory_space<vmem_shared>>) dst(%dma_wait3A_54 : memref<640x128xf32, #tpu.memory_space<hbm>>)
      tpu.yield
    }) : () -> ()
    return
  }
}

module attributes {stable_mosaic.version = 14 : i64} {
  func.func @_g_body(%arg0: memref<2500x128xi32, #tpu.memory_space<vmem>>, %arg1: memref<2500x128xi32, #tpu.memory_space<vmem>>, %arg2: memref<2500x128xi32, #tpu.memory_space<vmem>>) attributes {dimension_semantics = [], scalar_prefetch = 0 : i64, scratch_operands = 0 : i64, tpu.core_type = #tpu.core_type<tc>} {
    %get3A = arith.constant 0 : index
    %get3A_0 = arith.constant 0 : index
    %get3A_1 = vector.load %arg0[%get3A, %get3A_0] : memref<2500x128xi32, #tpu.memory_space<vmem>>, vector<2500x128xi32>
    %mul3A = arith.constant 10000 : i32
    %mul3A_2 = vector.broadcast %mul3A : i32 to vector<2500x128xi32>
    %mul3A_3 = arith.muli %get3A_1, %mul3A_2 : vector<2500x128xi32>
    %get3A_4 = arith.constant 0 : index
    %get3A_5 = arith.constant 0 : index
    %get3A_6 = vector.load %arg1[%get3A_4, %get3A_5] : memref<2500x128xi32, #tpu.memory_space<vmem>>, vector<2500x128xi32>
    %add3A = arith.addi %mul3A_3, %get3A_6 : vector<2500x128xi32>
    %swap3A = arith.constant 0 : index
    %swap3A_7 = arith.constant 0 : index
    %swap3A_8 = vector.load %arg2[%swap3A, %swap3A_7] : memref<2500x128xi32, #tpu.memory_space<vmem>>, vector<2500x128xi32>
    tpu.vector_store %arg2[%swap3A, %swap3A_7], %add3A {strides = array<i32>} : memref<2500x128xi32, #tpu.memory_space<vmem>>, vector<2500x128xi32>,
    return
  }
}

module attributes {stable_mosaic.version = 14 : i64} {
  func.func @_h_body(%arg0: i32, %arg1: memref<8x4xf32, #tpu.memory_space<smem>>, %arg2: memref<1000x128xf32, #tpu.memory_space<vmem>>, %arg3: memref<4x128x128xf32, #tpu.memory_space<vmem>>, %arg4: memref<8x1000x128xf32, #tpu.memory_space<vmem>>) attributes {dimension_semantics = [#tpu.dimension_semantics<arbitrary>], iteration_bounds = array<i64: 10>, scalar_prefetch = 0 : i64, scratch_operands = 0 : i64, tpu.core_type = #tpu.core_type<tc>, window_params = [{transform_indices = @transform_0, window_bounds = array<i64: 8, 4>}, {transform_indices = @transform_1, window_bounds = array<i64: 1000, 128>}, {pipeline_mode = #tpu.pipeline_mode<synchronous>, transform_indices = @transform_2, window_bounds = array<i64: 4, 128, 128>}, {transform_indices = @transform_3, window_bounds = array<i64: 8, 1000, 128>}]} {
    %get3A = arith.constant 0 : index
    %get3A_0 = arith.constant 0 : index
    %get3A_1 = vector.load %arg2[%get3A, %get3A_0] : memref<1000x128xf32, #tpu.memory_space<vmem>>, vector<1000x128xf32>
    %get3A_2 = arith.constant 0 : index
    %get3A_3 = arith.constant 0 : index
    %get3A_4 = arith.constant 0 : index
    %get3A_5 = vector.load %arg3[%get3A_2, %get3A_3, %get3A_4] : memref<4x128x128xf32, #tpu.memory_space<vmem>>, vector<1x128x128xf32>
    %get3A_6 = vector.shape_cast %get3A_5 : vector<1x128x128xf32> to vector<128x128xf32>
    %dot_general3A = arith.constant dense<0.000000e+00> : vector<1000x128xf32>
    %dot_general3A_7 = tpu.matmul %get3A_1, %get3A_6, %dot_general3A {dimension_numbers = #tpu.dot_dimension_numbers<[1], [0], [0], [1], [0, 0, 1, 1], [], []>, transpose_lhs_hint = false} : vector<1000x128xf32>, vector<128x128xf32>, vector<1000x128xf32> -> vector<1000x128xf32>
    %get3A_8 = arith.constant 1 : index
    %get3A_9 = arith.constant 0 : index
    %get3A_10 = arith.constant 0 : index
    %get3A_11 = vector.load %arg3[%get3A_8, %get3A_9, %get3A_10] : memref<4x128x128xf32, #tpu.memory_space<vmem>>, vector<1x128x128xf32>
    %get3A_12 = vector.shape_cast %get3A_11 : vector<1x128x128xf32> to vector<128x128xf32>
    %dot_general3A_13 = arith.constant dense<0.000000e+00> : vector<1000x128xf32>
    %dot_general3A_14 = tpu.matmul %get3A_1, %get3A_12, %dot_general3A_13 {dimension_numbers = #tpu.dot_dimension_numbers<[1], [0], [0], [1], [0, 0, 1, 1], [], []>, transpose_lhs_hint = false} : vector<1000x128xf32>, vector<128x128xf32>, vector<1000x128xf32> -> vector<1000x128xf32>
    %get3A_15 = arith.constant 2 : index
    %get3A_16 = arith.constant 0 : index
    %get3A_17 = arith.constant 0 : index
    %get3A_18 = vector.load %arg3[%get3A_15, %get3A_16, %get3A_17] : memref<4x128x128xf32, #tpu.memory_space<vmem>>, vector<1x128x128xf32>
    %get3A_19 = vector.shape_cast %get3A_18 : vector<1x128x128xf32> to vector<128x128xf32>
    %dot_general3A_20 = arith.constant dense<0.000000e+00> : vector<1000x128xf32>
    %dot_general3A_21 = tpu.matmul %get3A_1, %get3A_19, %dot_general3A_20 {dimension_numbers = #tpu.dot_dimension_numbers<[1], [0], [0], [1], [0, 0, 1, 1], [], []>, transpose_lhs_hint = false} : vector<1000x128xf32>, vector<128x128xf32>, vector<1000x128xf32> -> vector<1000x128xf32>
    %get3A_22 = arith.constant 3 : index
    %get3A_23 = arith.constant 0 : index
    %get3A_24 = arith.constant 0 : index
    %get3A_25 = vector.load %arg3[%get3A_22, %get3A_23, %get3A_24] : memref<4x128x128xf32, #tpu.memory_space<vmem>>, vector<1x128x128xf32>
    %get3A_26 = vector.shape_cast %get3A_25 : vector<1x128x128xf32> to vector<128x128xf32>
    %dot_general3A_27 = arith.constant dense<0.000000e+00> : vector<1000x128xf32>
    %dot_general3A_28 = tpu.matmul %get3A_1, %get3A_26, %dot_general3A_27 {dimension_numbers = #tpu.dot_dimension_numbers<[1], [0], [0], [1], [0, 0, 1, 1], [], []>, transpose_lhs_hint = false} : vector<1000x128xf32>, vector<128x128xf32>, vector<1000x128xf32> -> vector<1000x128xf32>
    %get3A_29 = arith.constant 0 : index
    %get3A_30 = arith.constant 0 : index
    %get3A_31 = memref.load %arg1[%get3A_29, %get3A_30] : memref<8x4xf32, #tpu.memory_space<smem>>
    %mul3A = vector.broadcast %get3A_31 : f32 to vector<1000x128xf32>
    %mul3A_32 = arith.mulf %dot_general3A_7, %mul3A : vector<1000x128xf32>
    %get3A_33 = arith.constant 0 : index
    %get3A_34 = arith.constant 1 : index
    %get3A_35 = memref.load %arg1[%get3A_33, %get3A_34] : memref<8x4xf32, #tpu.memory_space<smem>>
    %mul3A_36 = vector.broadcast %get3A_35 : f32 to vector<1000x128xf32>
    %mul3A_37 = arith.mulf %dot_general3A_14, %mul3A_36 : vector<1000x128xf32>
    %add3A = arith.addf %mul3A_32, %mul3A_37 : vector<1000x128xf32>
    %get3A_38 = arith.constant 0 : index
    %get3A_39 = arith.constant 2 : index
    %get3A_40 = memref.load %arg1[%get3A_38, %get3A_39] : memref<8x4xf32, #tpu.memory_space<smem>>
    %mul3A_41 = vector.broadcast %get3A_40 : f32 to vector<1000x128xf32>
    %mul3A_42 = arith.mulf %dot_general3A_21, %mul3A_41 : vector<1000x128xf32>
    %add3A_43 = arith.addf %add3A, %mul3A_42 : vector<1000x128xf32>
    %get3A_44 = arith.constant 0 : index
    %get3A_45 = arith.constant 3 : index
    %get3A_46 = memref.load %arg1[%get3A_44, %get3A_45] : memref<8x4xf32, #tpu.memory_space<smem>>
    %mul3A_47 = vector.broadcast %get3A_46 : f32 to vector<1000x128xf32>
    %mul3A_48 = arith.mulf %dot_general3A_28, %mul3A_47 : vector<1000x128xf32>
    %add3A_49 = arith.addf %add3A_43, %mul3A_48 : vector<1000x128xf32>
    %swap3A = arith.constant 0 : index
    %swap3A_50 = arith.constant 0 : index
    %swap3A_51 = arith.constant 0 : index
    %swap3A_52 = vector.load %arg4[%swap3A, %swap3A_50, %swap3A_51] : memref<8x1000x128xf32, #tpu.memory_space<vmem>>, vector<1x1000x128xf32>
    %swap3A_53 = vector.shape_cast %swap3A_52 : vector<1x1000x128xf32> to vector<1000x128xf32>
    %swap3A_54 = vector.shape_cast %add3A_49 : vector<1000x128xf32> to vector<1x1000x128xf32>
    tpu.vector_store %arg4[%swap3A, %swap3A_50, %swap3A_51], %swap3A_54 {strides = array<i32>} : memref<8x1000x128xf32, #tpu.memory_space<vmem>>, vector<1x1000x128xf32>,
    %get3A_55 = arith.constant 1 : index
    %get3A_56 = arith.constant 0 : index
    %get3A_57 = memref.load %arg1[%get3A_55, %get3A_56] : memref<8x4xf32, #tpu.memory_space<smem>>
    %mul3A_58 = vector.broadcast %get3A_57 : f32 to vector<1000x128xf32>
    %mul3A_59 = arith.mulf %dot_general3A_7, %mul3A_58 : vector<1000x128xf32>
    %get3A_60 = arith.constant 1 : index
    %get3A_61 = arith.constant 1 : index
    %get3A_62 = memref.load %arg1[%get3A_60, %get3A_61] : memref<8x4xf32, #tpu.memory_space<smem>>
    %mul3A_63 = vector.broadcast %get3A_62 : f32 to vector<1000x128xf32>
    %mul3A_64 = arith.mulf %dot_general3A_14, %mul3A_63 : vector<1000x128xf32>
    %add3A_65 = arith.addf %mul3A_59, %mul3A_64 : vector<1000x128xf32>
    %get3A_66 = arith.constant 1 : index
    %get3A_67 = arith.constant 2 : index
    %get3A_68 = memref.load %arg1[%get3A_66, %get3A_67] : memref<8x4xf32, #tpu.memory_space<smem>>
    %mul3A_69 = vector.broadcast %get3A_68 : f32 to vector<1000x128xf32>
    %mul3A_70 = arith.mulf %dot_general3A_21, %mul3A_69 : vector<1000x128xf32>
    %add3A_71 = arith.addf %add3A_65, %mul3A_70 : vector<1000x128xf32>
    %get3A_72 = arith.constant 1 : index
    %get3A_73 = arith.constant 3 : index
    %get3A_74 = memref.load %arg1[%get3A_72, %get3A_73] : memref<8x4xf32, #tpu.memory_space<smem>>
    %mul3A_75 = vector.broadcast %get3A_74 : f32 to vector<1000x128xf32>
    %mul3A_76 = arith.mulf %dot_general3A_28, %mul3A_75 : vector<1000x128xf32>
    %add3A_77 = arith.addf %add3A_71, %mul3A_76 : vector<1000x128xf32>
    %swap3A_78 = arith.constant 1 : index
    %swap3A_79 = arith.constant 0 : index
    %swap3A_80 = arith.constant 0 : index
    %swap3A_81 = vector.load %arg4[%swap3A_78, %swap3A_79, %swap3A_80] : memref<8x1000x128xf32, #tpu.memory_space<vmem>>, vector<1x1000x128xf32>
    %swap3A_82 = vector.shape_cast %swap3A_81 : vector<1x1000x128xf32> to vector<1000x128xf32>
    %swap3A_83 = vector.shape_cast %add3A_77 : vector<1000x128xf32> to vector<1x1000x128xf32>
    tpu.vector_store %arg4[%swap3A_78, %swap3A_79, %swap3A_80], %swap3A_83 {strides = array<i32>} : memref<8x1000x128xf32, #tpu.memory_space<vmem>>, vector<1x1000x128xf32>,
    %get3A_84 = arith.constant 2 : index
    %get3A_85 = arith.constant 0 : index
    %get3A_86 = memref.load %arg1[%get3A_84, %get3A_85] : memref<8x4xf32, #tpu.memory_space<smem>>
    %mul3A_87 = vector.broadcast %get3A_86 : f32 to vector<1000x128xf32>
    %mul3A_88 = arith.mulf %dot_general3A_7, %mul3A_87 : vector<1000x128xf32>
    %get3A_89 = arith.constant 2 : index
    %get3A_90 = arith.constant 1 : index
    %get3A_91 = memref.load %arg1[%get3A_89, %get3A_90] : memref<8x4xf32, #tpu.memory_space<smem>>
    %mul3A_92 = vector.broadcast %get3A_91 : f32 to vector<1000x128xf32>
    %mul3A_93 = arith.mulf %dot_general3A_14, %mul3A_92 : vector<1000x128xf32>
    %add3A_94 = arith.addf %mul3A_88, %mul3A_93 : vector<1000x128xf32>
    %get3A_95 = arith.constant 2 : index
    %get3A_96 = arith.constant 2 : index
    %get3A_97 = memref.load %arg1[%get3A_95, %get3A_96] : memref<8x4xf32, #tpu.memory_space<smem>>
    %mul3A_98 = vector.broadcast %get3A_97 : f32 to vector<1000x128xf32>
    %mul3A_99 = arith.mulf %dot_general3A_21, %mul3A_98 : vector<1000x128xf32>
    %add3A_100 = arith.addf %add3A_94, %mul3A_99 : vector<1000x128xf32>
    %get3A_101 = arith.constant 2 : index
    %get3A_102 = arith.constant 3 : index
    %get3A_103 = memref.load %arg1[%get3A_101, %get3A_102] : memref<8x4xf32, #tpu.memory_space<smem>>
    %mul3A_104 = vector.broadcast %get3A_103 : f32 to vector<1000x128xf32>
    %mul3A_105 = arith.mulf %dot_general3A_28, %mul3A_104 : vector<1000x128xf32>
    %add3A_106 = arith.addf %add3A_100, %mul3A_105 : vector<1000x128xf32>
    %swap3A_107 = arith.constant 2 : index
    %swap3A_108 = arith.constant 0 : index
    %swap3A_109 = arith.constant 0 : index
    %swap3A_110 = vector.load %arg4[%swap3A_107, %swap3A_108, %swap3A_109] : memref<8x1000x128xf32, #tpu.memory_space<vmem>>, vector<1x1000x128xf32>
    %swap3A_111 = vector.shape_cast %swap3A_110 : vector<1x1000x128xf32> to vector<1000x128xf32>
    %swap3A_112 = vector.shape_cast %add3A_106 : vector<1000x128xf32> to vector<1x1000x128xf32>
    tpu.vector_store %arg4[%swap3A_107, %swap3A_108, %swap3A_109], %swap3A_112 {strides = array<i32>} : memref<8x1000x128xf32, #tpu.memory_space<vmem>>, vector<1x1000x128xf32>,
    %get3A_113 = arith.constant 3 : index
    %get3A_114 = arith.constant 0 : index
    %get3A_115 = memref.load %arg1[%get3A_113, %get3A_114] : memref<8x4xf32, #tpu.memory_space<smem>>
    %mul3A_116 = vector.broadcast %get3A_115 : f32 to vector<1000x128xf32>
    %mul3A_117 = arith.mulf %dot_general3A_7, %mul3A_116 : vector<1000x128xf32>
    %get3A_118 = arith.constant 3 : index
    %get3A_119 = arith.constant 1 : index
    %get3A_120 = memref.load %arg1[%get3A_118, %get3A_119] : memref<8x4xf32, #tpu.memory_space<smem>>
    %mul3A_121 = vector.broadcast %get3A_120 : f32 to vector<1000x128xf32>
    %mul3A_122 = arith.mulf %dot_general3A_14, %mul3A_121 : vector<1000x128xf32>
    %add3A_123 = arith.addf %mul3A_117, %mul3A_122 : vector<1000x128xf32>
    %get3A_124 = arith.constant 3 : index
    %get3A_125 = arith.constant 2 : index
    %get3A_126 = memref.load %arg1[%get3A_124, %get3A_125] : memref<8x4xf32, #tpu.memory_space<smem>>
    %mul3A_127 = vector.broadcast %get3A_126 : f32 to vector<1000x128xf32>
    %mul3A_128 = arith.mulf %dot_general3A_21, %mul3A_127 : vector<1000x128xf32>
    %add3A_129 = arith.addf %add3A_123, %mul3A_128 : vector<1000x128xf32>
    %get3A_130 = arith.constant 3 : index
    %get3A_131 = arith.constant 3 : index
    %get3A_132 = memref.load %arg1[%get3A_130, %get3A_131] : memref<8x4xf32, #tpu.memory_space<smem>>
    %mul3A_133 = vector.broadcast %get3A_132 : f32 to vector<1000x128xf32>
    %mul3A_134 = arith.mulf %dot_general3A_28, %mul3A_133 : vector<1000x128xf32>
    %add3A_135 = arith.addf %add3A_129, %mul3A_134 : vector<1000x128xf32>
    %swap3A_136 = arith.constant 3 : index
    %swap3A_137 = arith.constant 0 : index
    %swap3A_138 = arith.constant 0 : index
    %swap3A_139 = vector.load %arg4[%swap3A_136, %swap3A_137, %swap3A_138] : memref<8x1000x128xf32, #tpu.memory_space<vmem>>, vector<1x1000x128xf32>
    %swap3A_140 = vector.shape_cast %swap3A_139 : vector<1x1000x128xf32> to vector<1000x128xf32>
    %swap3A_141 = vector.shape_cast %add3A_135 : vector<1000x128xf32> to vector<1x1000x128xf32>
    tpu.vector_store %arg4[%swap3A_136, %swap3A_137, %swap3A_138], %swap3A_141 {strides = array<i32>} : memref<8x1000x128xf32, #tpu.memory_space<vmem>>, vector<1x1000x128xf32>,
    %get3A_142 = arith.constant 4 : index
    %get3A_143 = arith.constant 0 : index
    %get3A_144 = memref.load %arg1[%get3A_142, %get3A_143] : memref<8x4xf32, #tpu.memory_space<smem>>
    %mul3A_145 = vector.broadcast %get3A_144 : f32 to vector<1000x128xf32>
    %mul3A_146 = arith.mulf %dot_general3A_7, %mul3A_145 : vector<1000x128xf32>
    %get3A_147 = arith.constant 4 : index
    %get3A_148 = arith.constant 1 : index
    %get3A_149 = memref.load %arg1[%get3A_147, %get3A_148] : memref<8x4xf32, #tpu.memory_space<smem>>
    %mul3A_150 = vector.broadcast %get3A_149 : f32 to vector<1000x128xf32>
    %mul3A_151 = arith.mulf %dot_general3A_14, %mul3A_150 : vector<1000x128xf32>
    %add3A_152 = arith.addf %mul3A_146, %mul3A_151 : vector<1000x128xf32>
    %get3A_153 = arith.constant 4 : index
    %get3A_154 = arith.constant 2 : index
    %get3A_155 = memref.load %arg1[%get3A_153, %get3A_154] : memref<8x4xf32, #tpu.memory_space<smem>>
    %mul3A_156 = vector.broadcast %get3A_155 : f32 to vector<1000x128xf32>
    %mul3A_157 = arith.mulf %dot_general3A_21, %mul3A_156 : vector<1000x128xf32>
    %add3A_158 = arith.addf %add3A_152, %mul3A_157 : vector<1000x128xf32>
    %get3A_159 = arith.constant 4 : index
    %get3A_160 = arith.constant 3 : index
    %get3A_161 = memref.load %arg1[%get3A_159, %get3A_160] : memref<8x4xf32, #tpu.memory_space<smem>>
    %mul3A_162 = vector.broadcast %get3A_161 : f32 to vector<1000x128xf32>
    %mul3A_163 = arith.mulf %dot_general3A_28, %mul3A_162 : vector<1000x128xf32>
    %add3A_164 = arith.addf %add3A_158, %mul3A_163 : vector<1000x128xf32>
    %swap3A_165 = arith.constant 4 : index
    %swap3A_166 = arith.constant 0 : index
    %swap3A_167 = arith.constant 0 : index
    %swap3A_168 = vector.load %arg4[%swap3A_165, %swap3A_166, %swap3A_167] : memref<8x1000x128xf32, #tpu.memory_space<vmem>>, vector<1x1000x128xf32>
    %swap3A_169 = vector.shape_cast %swap3A_168 : vector<1x1000x128xf32> to vector<1000x128xf32>
    %swap3A_170 = vector.shape_cast %add3A_164 : vector<1000x128xf32> to vector<1x1000x128xf32>
    tpu.vector_store %arg4[%swap3A_165, %swap3A_166, %swap3A_167], %swap3A_170 {strides = array<i32>} : memref<8x1000x128xf32, #tpu.memory_space<vmem>>, vector<1x1000x128xf32>,
    %get3A_171 = arith.constant 5 : index
    %get3A_172 = arith.constant 0 : index
    %get3A_173 = memref.load %arg1[%get3A_171, %get3A_172] : memref<8x4xf32, #tpu.memory_space<smem>>
    %mul3A_174 = vector.broadcast %get3A_173 : f32 to vector<1000x128xf32>
    %mul3A_175 = arith.mulf %dot_general3A_7, %mul3A_174 : vector<1000x128xf32>
    %get3A_176 = arith.constant 5 : index
    %get3A_177 = arith.constant 1 : index
    %get3A_178 = memref.load %arg1[%get3A_176, %get3A_177] : memref<8x4xf32, #tpu.memory_space<smem>>
    %mul3A_179 = vector.broadcast %get3A_178 : f32 to vector<1000x128xf32>
    %mul3A_180 = arith.mulf %dot_general3A_14, %mul3A_179 : vector<1000x128xf32>
    %add3A_181 = arith.addf %mul3A_175, %mul3A_180 : vector<1000x128xf32>
    %get3A_182 = arith.constant 5 : index
    %get3A_183 = arith.constant 2 : index
    %get3A_184 = memref.load %arg1[%get3A_182, %get3A_183] : memref<8x4xf32, #tpu.memory_space<smem>>
    %mul3A_185 = vector.broadcast %get3A_184 : f32 to vector<1000x128xf32>
    %mul3A_186 = arith.mulf %dot_general3A_21, %mul3A_185 : vector<1000x128xf32>
    %add3A_187 = arith.addf %add3A_181, %mul3A_186 : vector<1000x128xf32>
    %get3A_188 = arith.constant 5 : index
    %get3A_189 = arith.constant 3 : index
    %get3A_190 = memref.load %arg1[%get3A_188, %get3A_189] : memref<8x4xf32, #tpu.memory_space<smem>>
    %mul3A_191 = vector.broadcast %get3A_190 : f32 to vector<1000x128xf32>
    %mul3A_192 = arith.mulf %dot_general3A_28, %mul3A_191 : vector<1000x128xf32>
    %add3A_193 = arith.addf %add3A_187, %mul3A_192 : vector<1000x128xf32>
    %swap3A_194 = arith.constant 5 : index
    %swap3A_195 = arith.constant 0 : index
    %swap3A_196 = arith.constant 0 : index
    %swap3A_197 = vector.load %arg4[%swap3A_194, %swap3A_195, %swap3A_196] : memref<8x1000x128xf32, #tpu.memory_space<vmem>>, vector<1x1000x128xf32>
    %swap3A_198 = vector.shape_cast %swap3A_197 : vector<1x1000x128xf32> to vector<1000x128xf32>
    %swap3A_199 = vector.shape_cast %add3A_193 : vector<1000x128xf32> to vector<1x1000x128xf32>
    tpu.vector_store %arg4[%swap3A_194, %swap3A_195, %swap3A_196], %swap3A_199 {strides = array<i32>} : memref<8x1000x128xf32, #tpu.memory_space<vmem>>, vector<1x1000x128xf32>,
    %get3A_200 = arith.constant 6 : index
    %get3A_201 = arith.constant 0 : index
    %get3A_202 = memref.load %arg1[%get3A_200, %get3A_201] : memref<8x4xf32, #tpu.memory_space<smem>>
    %mul3A_203 = vector.broadcast %get3A_202 : f32 to vector<1000x128xf32>
    %mul3A_204 = arith.mulf %dot_general3A_7, %mul3A_203 : vector<1000x128xf32>
    %get3A_205 = arith.constant 6 : index
    %get3A_206 = arith.constant 1 : index
    %get3A_207 = memref.load %arg1[%get3A_205, %get3A_206] : memref<8x4xf32, #tpu.memory_space<smem>>
    %mul3A_208 = vector.broadcast %get3A_207 : f32 to vector<1000x128xf32>
    %mul3A_209 = arith.mulf %dot_general3A_14, %mul3A_208 : vector<1000x128xf32>
    %add3A_210 = arith.addf %mul3A_204, %mul3A_209 : vector<1000x128xf32>
    %get3A_211 = arith.constant 6 : index
    %get3A_212 = arith.constant 2 : index
    %get3A_213 = memref.load %arg1[%get3A_211, %get3A_212] : memref<8x4xf32, #tpu.memory_space<smem>>
    %mul3A_214 = vector.broadcast %get3A_213 : f32 to vector<1000x128xf32>
    %mul3A_215 = arith.mulf %dot_general3A_21, %mul3A_214 : vector<1000x128xf32>
    %add3A_216 = arith.addf %add3A_210, %mul3A_215 : vector<1000x128xf32>
    %get3A_217 = arith.constant 6 : index
    %get3A_218 = arith.constant 3 : index
    %get3A_219 = memref.load %arg1[%get3A_217, %get3A_218] : memref<8x4xf32, #tpu.memory_space<smem>>
    %mul3A_220 = vector.broadcast %get3A_219 : f32 to vector<1000x128xf32>
    %mul3A_221 = arith.mulf %dot_general3A_28, %mul3A_220 : vector<1000x128xf32>
    %add3A_222 = arith.addf %add3A_216, %mul3A_221 : vector<1000x128xf32>
    %swap3A_223 = arith.constant 6 : index
    %swap3A_224 = arith.constant 0 : index
    %swap3A_225 = arith.constant 0 : index
    %swap3A_226 = vector.load %arg4[%swap3A_223, %swap3A_224, %swap3A_225] : memref<8x1000x128xf32, #tpu.memory_space<vmem>>, vector<1x1000x128xf32>
    %swap3A_227 = vector.shape_cast %swap3A_226 : vector<1x1000x128xf32> to vector<1000x128xf32>
    %swap3A_228 = vector.shape_cast %add3A_222 : vector<1000x128xf32> to vector<1x1000x128xf32>
    tpu.vector_store %arg4[%swap3A_223, %swap3A_224, %swap3A_225], %swap3A_228 {strides = array<i32>} : memref<8x1000x128xf32, #tpu.memory_space<vmem>>, vector<1x1000x128xf32>,
    %get3A_229 = arith.constant 7 : index
    %get3A_230 = arith.constant 0 : index
    %get3A_231 = memref.load %arg1[%get3A_229, %get3A_230] : memref<8x4xf32, #tpu.memory_space<smem>>
    %mul3A_232 = vector.broadcast %get3A_231 : f32 to vector<1000x128xf32>
    %mul3A_233 = arith.mulf %dot_general3A_7, %mul3A_232 : vector<1000x128xf32>
    %get3A_234 = arith.constant 7 : index
    %get3A_235 = arith.constant 1 : index
    %get3A_236 = memref.load %arg1[%get3A_234, %get3A_235] : memref<8x4xf32, #tpu.memory_space<smem>>
    %mul3A_237 = vector.broadcast %get3A_236 : f32 to vector<1000x128xf32>
    %mul3A_238 = arith.mulf %dot_general3A_14, %mul3A_237 : vector<1000x128xf32>
    %add3A_239 = arith.addf %mul3A_233, %mul3A_238 : vector<1000x128xf32>
    %get3A_240 = arith.constant 7 : index
    %get3A_241 = arith.constant 2 : index
    %get3A_242 = memref.load %arg1[%get3A_240, %get3A_241] : memref<8x4xf32, #tpu.memory_space<smem>>
    %mul3A_243 = vector.broadcast %get3A_242 : f32 to vector<1000x128xf32>
    %mul3A_244 = arith.mulf %dot_general3A_21, %mul3A_243 : vector<1000x128xf32>
    %add3A_245 = arith.addf %add3A_239, %mul3A_244 : vector<1000x128xf32>
    %get3A_246 = arith.constant 7 : index
    %get3A_247 = arith.constant 3 : index
    %get3A_248 = memref.load %arg1[%get3A_246, %get3A_247] : memref<8x4xf32, #tpu.memory_space<smem>>
    %mul3A_249 = vector.broadcast %get3A_248 : f32 to vector<1000x128xf32>
    %mul3A_250 = arith.mulf %dot_general3A_28, %mul3A_249 : vector<1000x128xf32>
    %add3A_251 = arith.addf %add3A_245, %mul3A_250 : vector<1000x128xf32>
    %swap3A_252 = arith.constant 7 : index
    %swap3A_253 = arith.constant 0 : index
    %swap3A_254 = arith.constant 0 : index
    %swap3A_255 = vector.load %arg4[%swap3A_252, %swap3A_253, %swap3A_254] : memref<8x1000x128xf32, #tpu.memory_space<vmem>>, vector<1x1000x128xf32>
    %swap3A_256 = vector.shape_cast %swap3A_255 : vector<1x1000x128xf32> to vector<1000x128xf32>
    %swap3A_257 = vector.shape_cast %add3A_251 : vector<1000x128xf32> to vector<1x1000x128xf32>
    tpu.vector_store %arg4[%swap3A_252, %swap3A_253, %swap3A_254], %swap3A_257 {strides = array<i32>} : memref<8x1000x128xf32, #tpu.memory_space<vmem>>, vector<1x1000x128xf32>,
    return
  }
  func.func @transform_0(%arg0: i32) -> (i32, i32) {
    %c0_i32 = arith.constant 0 : i32
    %c0_i32_0 = arith.constant 0 : i32
    %c0_i32_1 = arith.constant 0 : i32
    return %c0_i32, %c0_i32_0 : i32, i32
  }
  func.func @transform_1(%arg0: i32) -> (i32, i32) {
    %c0_i32 = arith.constant 0 : i32
    %c0_i32_0 = arith.constant 0 : i32
    return %arg0, %c0_i32 : i32, i32
  }
  func.func @transform_2(%arg0: i32) -> (i32, i32, i32) {
    %c0_i32 = arith.constant 0 : i32
    %c0_i32_0 = arith.constant 0 : i32
    %c0_i32_1 = arith.constant 0 : i32
    %c0_i32_2 = arith.constant 0 : i32
    return %c0_i32, %c0_i32_0, %c0_i32_1 : i32, i32, i32
  }
  func.func @transform_3(%arg0: i32) -> (i32, i32, i32) {
    %c0_i32 = arith.constant 0 : i32
    %c0_i32_0 = arith.constant 0 : i32
    %c0_i32_1 = arith.constant 0 : i32
    return %c0_i32, %arg0, %c0_i32_0 : i32, i32, i32
  }
}

module attributes {stable_mosaic.version = 14 : i64} {
  func.func @_comb_body(%arg0: i32, %arg1: memref<2x1000x128xf32, #tpu.memory_space<vmem>>, %arg2: memref<1x128xf32, #tpu.memory_space<vmem>>, %arg3: memref<1000x128xf32, #tpu.memory_space<vmem>>) attributes {dimension_semantics = [#tpu.dimension_semantics<arbitrary>], iteration_bounds = array<i64: 10>, scalar_prefetch = 0 : i64, scratch_operands = 0 : i64, tpu.core_type = #tpu.core_type<tc>, window_params = [{transform_indices = @transform_0, window_bounds = array<i64: 2, 1000, 128>}, {pipeline_mode = #tpu.pipeline_mode<synchronous>, transform_indices = @transform_1, window_bounds = array<i64: 1, 128>}, {transform_indices = @transform_2, window_bounds = array<i64: 1000, 128>}]} {
    %get3A = arith.constant 0 : index
    %get3A_0 = arith.constant 0 : index
    %get3A_1 = arith.constant 0 : index
    %get3A_2 = vector.load %arg1[%get3A, %get3A_0, %get3A_1] : memref<2x1000x128xf32, #tpu.memory_space<vmem>>, vector<1x1000x128xf32>
    %get3A_3 = vector.shape_cast %get3A_2 : vector<1x1000x128xf32> to vector<1000x128xf32>
    %get3A_4 = arith.constant 1 : index
    %get3A_5 = arith.constant 0 : index
    %get3A_6 = arith.constant 0 : index
    %get3A_7 = vector.load %arg1[%get3A_4, %get3A_5, %get3A_6] : memref<2x1000x128xf32, #tpu.memory_space<vmem>>, vector<1x1000x128xf32>
    %get3A_8 = vector.shape_cast %get3A_7 : vector<1x1000x128xf32> to vector<1000x128xf32>
    %add3A = arith.addf %get3A_3, %get3A_8 : vector<1000x128xf32>
    %get3A_9 = arith.constant 0 : index
    %get3A_10 = arith.constant 0 : index
    %get3A_11 = vector.load %arg2[%get3A_9, %get3A_10] : memref<1x128xf32, #tpu.memory_space<vmem>>, vector<1x128xf32>
    %add3A_12 = vector.broadcast %get3A_11 : vector<1x128xf32> to vector<1000x128xf32>
    %add3A_13 = arith.addf %add3A, %add3A_12 : vector<1000x128xf32>
    %swap3A = arith.constant 0 : index
    %swap3A_14 = arith.constant 0 : index
    %swap3A_15 = vector.load %arg3[%swap3A, %swap3A_14] : memref<1000x128xf32, #tpu.memory_space<vmem>>, vector<1000x128xf32>
    tpu.vector_store %arg3[%swap3A, %swap3A_14], %add3A_13 {strides = array<i32>} : memref<1000x128xf32, #tpu.memory_space<vmem>>, vector<1000x128xf32>,
    return
  }
  func.func @transform_0(%arg0: i32) -> (i32, i32, i32) {
    %c0_i32 = arith.constant 0 : i32
    %c0_i32_0 = arith.constant 0 : i32
    %c0_i32_1 = arith.constant 0 : i32
    return %c0_i32, %arg0, %c0_i32_0 : i32, i32, i32
  }
  func.func @transform_1(%arg0: i32) -> (i32, i32) {
    %c0_i32 = arith.constant 0 : i32
    %c0_i32_0 = arith.constant 0 : i32
    %c0_i32_1 = arith.constant 0 : i32
    return %c0_i32, %c0_i32_0 : i32, i32
  }
  func.func @transform_2(%arg0: i32) -> (i32, i32) {
    %c0_i32 = arith.constant 0 : i32
    %c0_i32_0 = arith.constant 0 : i32
    return %arg0, %c0_i32 : i32, i32
  }
}

</mosaic_0001>

<sc_bundles>
// kernel: kernel.6.cloned.1.call-start
scs
__scs_entry_jumppad:
0x0: {  	(pc) =	sbr.rel $0x88, $3  }
0x1: {  	(tag) =	ssettag $0x0;
	lr =	simm.s32 $0x1  }
0x2: {  	[smem:$0x3F9B] =	sst lr;
	_ =	strace $0xD0000000  }
0x3: {  	_ = 	snop  }
0x4: {  	_ = 	snop  }
0x5: {  	_ = 	snop  }
0x6: {  	_ = 	snop  }
0x7: {  	_ = 	snop  }
__scs_overlays_trampoline_lowered:
0x8: {  	[smem:$0x3FAA] =	sst s0  }
0x9: {  	[smem:$0x3FAB] =	sst s1  }
0xa: {  	[smem:$0x3FAC] =	sst s2  }
0xb: {  	[smem:$0x3FAD] =	sst s3  }
0xc: {  	[smem:$0x3FAE] =	sst s4  }
0xd: {  	[smem:$0x3FAF] =	sst s5  }
0xe: {  	[smem:$0x3FB0] =	sst s6  }
0xf: {  	[smem:$0x3FB1] =	sst s7  }
0x10: {  	[smem:$0x3FB2] =	sst s8  }
0x11: {  	[smem:$0x3FB3] =	sst s9;
	s0 =	simm.s32 @!p0 $0x0  }
0x12: {  	s1 =	sld [smem:$0x3F99];
	s0 =	simm.s32 @p0 $0x1  }
0x13: {  	[smem:$0x3FB4] =	sst s0;
	s0 =	simm.s32 @!p1 $0x0  }
0x14: {  	s2 =	sld [smem:$0x3F98];
	s0 =	simm.s32 @p1 $0x1  }
0x15: {  	[smem:$0x3FB5] =	sst s0;
	s0 =	simm.s32 @!p2 $0x0  }
0x16: {  	s3 =	sld [smem:$0x3FDB];
	s0 =	simm.s32 @p2 $0x1  }
0x17: {  	s4 =	simm.s32 $0x1BF5;
	[smem:$0x3FB7] =	sst s0  }
0x18: {  	s0 =	sld [smem:$0x3F9A];
	_ =	swait.ge [sflag:s4], $0x0  }
0x19: {  	s7 =	sld [smem:$0x3F9B]  }
0x1a: {  	s8 =	sadd.s32 $0xFFFFE003, lr  }
0x1b: {  	s9 =	sadd.s32 $0xFFFFFEF7, lr;
	s5 =	simm.s32 $0xFFFFFFFF;
	p2 =	slt.u32 s8, $0xFFFFF086  }
0x1c: {  	p1 =	slt.u32 s9, $0xF7A;
	s5 =	simm.s32 @!p2 $0x0  }
0x1d: {  	s5 =	simm.s32 @p1 $0x1;
	p0 =	seq.s32 s7, s2  }
0x1e: {  	s7 =	smul.u32 @!p0 $0xF7A, s2;
	p2 =	seq.s32 @!p0 s5, $0x0  }
0x1f: {  	s9 =	smul.u32 $0xF7A, s1;
	s8 =	simm.s32 @!p0 $0x1BF5;
	p2 =	por !p2, p0  }
0x20: {  	[sflag:s8] =	ssyncset.s32 @!p0 $0xFFFFF086;
	s6 =	sadd.s32 @!p0 s3, s7;
	s7 =	simm.s32 @!p0 $0x108  }
0x21: {  	s3 =	sadd.s32 s3, s9;
	s6 =	sadd.s32 @!p0 $0x88, s6;
	s7 =	simm.s32 @p2 $0x1082  }
0x22: {  	[simem:s7], [sflag:s8] =	dma.local @!p0 [hbm:s6], $0xF7A  }
0x23: {  	s9 =	sor.u32 $0xD0000000, s2;
	s6 =	simm.s32 $0x108;
	_ =	swait.ge @!p0 [sflag:s8], $0x0  }
0x24: {  	s3 =	sadd.s32 $0x88, s3;
	s6 =	simm.s32 @!p1 $0x1082;
	[sflag:s4] =	ssyncset.s32 $0xFFFFF086  }
0x25: {  	[simem:s6], [sflag:s4] =	dma.local [hbm:s3], $0xF7A  }
0x26: {  	[smem:$0x3F9B] =	sst s1;
	(tag) =	ssettag s2;
	_ =	strace s9  }
0x27: {  	s1 =	sld [smem:$0x3FAB]  }
0x28: {  	s2 =	sld [smem:$0x3FAC]  }
0x29: {  	s4 =	sld [smem:$0x3FAE]  }
0x2a: {  	p0 =	seq.s32 s5, $0x0;
	s5 =	sld [smem:$0x3FAF]  }
0x2b: {  	s6 =	sld [smem:$0x3FB0]  }
0x2c: {  	s7 =	sld [smem:$0x3FB1]  }
0x2d: {  	s3 =	simm.s32 $0x108;
	s8 =	sld [smem:$0x3FB2]  }
0x2e: {  	s3 =	simm.s32 @!p0 $0x1082;
	s9 =	sld [smem:$0x3FB3]  }
0x2f: {  	lr =	sadd.s32 s0, s3;
	s0 =	sld [smem:$0x3FAA]  }
0x30: {  	s3 =	sld [smem:$0x3FAD]  }
0x31: {  	[smem:$0x3FB6] =	sst s10  }
0x32: {  	s10 =	sld [smem:$0x3FB4];
	_ =	sdelay $0x3  }
0x33: {  	p0 =	seq.s32 s10, $0x1;
	s10 =	sld [smem:$0x3FB6];
	_ =	sdelay $0x3  }
0x34: {  	[smem:$0x3FB6] =	sst s10  }
0x35: {  	s10 =	sld [smem:$0x3FB5];
	_ =	sdelay $0x3  }
0x36: {  	p1 =	seq.s32 s10, $0x1;
	s10 =	sld [smem:$0x3FB6];
	_ =	sdelay $0x3  }
0x37: {  	[smem:$0x3FB6] =	sst s10  }
0x38: {  	s10 =	sld [smem:$0x3FB7]  }
0x39: {  	_ = 	snop;
	(pc) =	sbr.ind lr, $3  }
0x3a: {  	_ = 	snop  }
0x3b: {  	_ = 	snop  }
0x3c: {  	p2 =	seq.s32 s10, $0x1;
	s10 =	sld [smem:$0x3FB6]  }
0x3d: {  	_ =	shalt  }
0x3e: {  	_ =	shalt  }
0x3f: {  	_ =	shalt  }
0x40: {  	_ =	shalt  }
0x41: {  	_ =	shalt  }
0x42: {  	_ =	shalt  }
0x43: {  	_ =	shalt  }
0x44: {  	_ =	shalt  }
0x45: {  	_ =	shalt  }
0x46: {  	_ =	shalt  }
0x47: {  	_ =	shalt  }
0x48: {  	_ =	shalt  }
0x49: {  	_ =	shalt  }
0x4a: {  	_ =	shalt  }
0x4b: {  	_ =	shalt  }
0x4c: {  	_ =	shalt  }
0x4d: {  	_ =	shalt  }
0x4e: {  	_ =	shalt  }
0x4f: {  	_ =	shalt  }
0x50: {  	_ =	shalt  }
0x51: {  	_ =	shalt  }
0x52: {  	_ =	shalt  }
0x53: {  	_ =	shalt  }
0x54: {  	_ =	shalt  }
0x55: {  	_ =	shalt  }
0x56: {  	_ =	shalt  }
0x57: {  	_ =	shalt  }
0x58: {  	_ =	shalt  }
0x59: {  	_ =	shalt  }
0x5a: {  	_ =	shalt  }
0x5b: {  	_ =	shalt  }
0x5c: {  	_ =	shalt  }
0x5d: {  	_ =	shalt  }
0x5e: {  	_ =	shalt  }
0x5f: {  	_ =	shalt  }
0x60: {  	_ =	shalt  }
0x61: {  	_ =	shalt  }
0x62: {  	_ =	shalt  }
0x63: {  	_ =	shalt  }
0x64: {  	_ =	shalt  }
0x65: {  	_ =	shalt  }
0x66: {  	_ =	shalt  }
0x67: {  	_ =	shalt  }
0x68: {  	_ =	shalt  }
0x69: {  	_ =	shalt  }
0x6a: {  	_ =	shalt  }
0x6b: {  	_ =	shalt  }
0x6c: {  	_ =	shalt  }
0x6d: {  	_ =	shalt  }
0x6e: {  	_ =	shalt  }
0x6f: {  	_ =	shalt  }
0x70: {  	_ =	shalt  }
0x71: {  	_ =	shalt  }
0x72: {  	_ =	shalt  }
0x73: {  	_ =	shalt  }
0x74: {  	_ =	shalt  }
0x75: {  	_ =	shalt  }
0x76: {  	_ =	shalt  }
0x77: {  	_ =	shalt  }
0x78: {  	_ =	shalt  }
0x79: {  	_ =	shalt  }
0x7a: {  	_ =	shalt  }
0x7b: {  	_ =	shalt  }
0x7c: {  	_ =	shalt  }
0x7d: {  	_ =	shalt  }
0x7e: {  	_ =	shalt  }
0x7f: {  	_ =	shalt  }
0x80: {  	_ =	shalt  }
0x81: {  	_ =	shalt  }
0x82: {  	_ =	shalt  }
0x83: {  	_ =	shalt  }
0x84: {  	_ =	shalt  }
0x85: {  	_ =	shalt  }
0x86: {  	_ =	shalt  }
0x87: {  	_ =	shalt  }
.Lfunc_end0:
.L_simem_size_0:
called_computation_lowered:
.L_overlay_start_0:
0x88: {  	s2 =	sld [smem:$0x3FD9]  }
0x89: {  	s3 =	sld [smem:$0x3FFE];
	_ =	sdelay $0x1  }
0x8a: {  	s1 =	srdreg.scid  }
0x8b: {  	s0 =	sand.u32 $0x1, s1  }
0x8c: {  	s17 =	sshll.u32 s0, $0xA;
	s2 =	sadd.s32 s3, s2  }
0x8d: {  	s2 =	sadd.s32 s2, s17  }
0x8e: {  	[smem:$0x3FC2] =	sst s2  }
0x8f: {  	_ = 	snop  }
0x90: {  	s2 =	sld [smem:$0x3FD0];
	(tm) =	ssettm $0x1  }
0x91: {  	s18 =	sld [smem:$0x3FFB];
	_ =	sdelay $0x3  }
0x92: {  	_ =	strace s18  }
0x93: {  	s3 =	sld [smem:$0x3FFC];
	_ =	sdelay $0x3  }
0x94: {  	_ =	strace s3  }
0x95: {  	s3 =	sld [smem:$0x3FFD];
	_ =	sdelay $0x3  }
0x96: {  	_ =	strace s3  }
0x97: {  	_ =	strace $0x8FFFFFFF  }
0x98: {  	s19 =	sld [smem:$0x3FDB];
	_ =	sdelay $0x1  }
0x99: {  	s4 =	simm.s32 $_scs_section_size  }
0x9a: {  	s5 =	simm.s32 $_size__tile_overlayer_lowered;
	s6 =	simm.s32 $_tile_overlayer_lowered  }
0x9b: {  	s22 =	simm.s32 $0x1BFF;
	s21 =	sshll.u32 s6, $0x1;
	s3 =	sadd.s32 s4, s19  }
0x9c: {  	s7 =	simm.s32 $0x0;
	s20 =	sshll.u32 s5, $0x1;
	s5 =	sadd.s32 s21, s3  }
0x9d: {  	[timem:s7], [sflag:s22] =	dma.local [hbm:s5], s20  }
0x9e: {  	_ =	swait.ge [sflag:s22], s20  }
0x9f: {  	s4 =	ssub.s32 $0x0, s20;
	[sflag:s22] =	ssyncset.done $0x0  }
0xa0: {  	[sflag:s22] =	ssyncadd.s32 s4;
	_ =	sdelay $0x1  }
0xa1: {  	s23 =	simm.s32 $0x1B8B  }
0xa2: {  	_ =	swait.ge [sflag:s23], $0x1  }
0xa3: {  	[sflag:s23] =	ssyncset.done $0x0  }
0xa4: {  	s25 =	simm.s32 $0x1B8E;
	s24 =	sld [smem:$0x3FFE];
	[sflag:s23] =	ssyncadd.s32 $0xFFFFFFFF  }
0xa5: {  	s26 =	simm.s32 $execute0_lowered;
	[smem:$0x3FD2] =	sst s25  }
0xa6: {  	s5 =	sshll.u32 s26, $0x1;
	_ =	strace $0x80000046;
	[dreg:$0x1] =	wrdreg $0xFFFFFFFF  }
0xa7: {  	s28 =	simm.s32 $_size_execute0_lowered;
	s3 =	sadd.s32 s3, s5;
	[dreg:$0x0] =	wrdreg $0x0  }
0xa8: {  	s5 =	sshll.u32 s28, $0x1;
	[dreg:$0x2] =	wrdreg s3  }
0xa9: {  	[dreg:$0x3] =	wrdreg s5  }
0xaa: {  	[dreg:$0x4] =	wrdreg $0xC0  }
0xab: {  	_ =	task [dreg:s7], $0x5FFFF  }
0xac: {  	[dreg:$0x1] =	wrdreg $0xFFFFFFFF  }
0xad: {  	[dreg:$0x0] =	wrdreg $0x60  }
0xae: {  	[dreg:$0x2] =	wrdreg s24  }
0xaf: {  	[dreg:$0x3] =	wrdreg s2  }
0xb0: {  	[dreg:$0x4] =	wrdreg $0x90000  }
0xb1: {  	[dreg:$0x5] =	wrdreg $0x9  }
0xb2: {  	_ =	task.clear_ibuf [dreg:s7], $0x6FFFF;
	_ =	strace $0x90000046  }
0xb3: {  	s29 =	simm.s32 $0x9;
	_ =	strace $0x80000048  }
0xb4: {  	_ =	swait.ge [sflag:s29], $0x1  }
0xb5: {  	[sflag:s29] =	ssyncadd.s32 $0xFFFFFFFF  }
0xb6: {  	_ =	strace $0x90000048  }
0xb7: {  	_ =	sfence  }
0xb8: {  	s30 =	sld [smem:$0x0];
	_ =	sdelay $0x2  }
0xb9: {  	s31 =	sshll.u32 s1, $0xD;
	s1 =	sshrl.u32 s1, $0x2  }
0xba: {  	s3 =	sand.u32 $0x4000, s31;
	s1 =	sadd.s32 s1, s30  }
0xbb: {  	s0 =	sor.u32 s3, s0;
	s1 =	sshll.u32 s1, $0x11  }
0xbc: {  	s0 =	sor.u32 s1, s0  }
0xbd: {  	s0 =	sadd.s32 $0x8F2B, s0  }
0xbe: {  	[sflag:s0] =	ssyncadd.remote.s32 $0x1  }
0xbf: {  	_ =	sfence.sel $0xFFFF  }
0xc0: {  	[dreg:$0x0] =	wrdreg $0xFFFFFFFF;
	(pc) =	sbr.abs _section_cstart, $3  }
0xc1: {  	[dreg:$0x1] =	wrdreg $0xFFFFFFFF  }
0xc2: {  	_ =	task.clear_ibuf [dreg:s7], $0x2FFFF;
	_ =	strace $0x9FFFFFFF  }
0xc3: {  	(tm) =	ssettm $0x7FFFFFFF  }
tec
execute0_lowered:
.L_overlay_start_1:
0x0: {  	(tag) =	ssettag $0x1  }
0x1: {  	s8 =	rddreg [dreg:$0x0]  }
0x2: {  	s1 =	rddreg [dreg:$0x1]  }
0x3: {  	s2 =	rddreg [dreg:$0x2]  }
0x4: {  	s0 =	rddreg [dreg:$0x3];
	s4 =	simm.s32 $0x0  }
0x5: {  	s5 =	srdreg.scid;
	s3 =	stileid.u32;
	s18 =	simm.s32 $0x50  }
0x6: {  	s19 =	simm.s32 $0x4000;
	s20 =	simm.s32 $0x1;
	s21 =	simm.s32 $0x6800  }
0x7: {  	s22 =	simm.s32 $0x2;
	s23 =	simm.s32 $0x0;
	[smem:$0x7FF] =	sst s4  }
0x8: {  	s9 =	sand.u32 $0x1, s5;
	s10 =	smul.u32 $0x2800, s3;
	s28 =	sshll.u32 s3, $0x1  }
0x9: {  	s5 =	sadd.s32 $0x14C00, s8;
	s6 =	sadd.s32 $0xC00, s8;
	s14 =	smul.u32 $0x50000, s3  }
0xa: {  	s31 =	sshll.u32 s3, $0x6;
	s11 =	smul.u32 $0x28000, s9;
	s7 =	sor.u32 s9, s28  }
0xb: {  	_ =	strace $0x80000047;
	s9 =	ssub.s32 $0x2, s9;
	s12 =	smul.u32 $0x5000, s7  }
0xc: {  	s7 =	sadd.s32 $0x14D400, s8;
	s29 =	sshrl.u32 s9, $0x1;
	s30 =	sshrl.u32 s14, $0x2  }
0xd: {  	s14 =	simm.s32 $0x2000;
	s10 =	sadd.s32 s10, s11;
	s16 =	ssub.s32 s9, s29  }
0xe: {  	s17 =	sadd.s32 s30, s2;
	s13 =	sshrl.u32 s12, $0x3;
	s15 =	sadd.s32 s10, s8  }
0xf: {  	s10 =	sor.u32 $0x1C04, s31;
	s11 =	sadd.s32 $0x1000, s12;
	s8 =	sadd.s32 s1, s13  }
0x10: {  	s9 =	sadd.s32 s6, s13;
	s12 =	sadd.s32 $0x14FC00, s15;
	s13 =	smax.u32 s16, $0x1  }
0x11: {  	s15 =	sshrl.u32 s17, $0x3;
	s16 =	simm.s32 $0x4;
	s17 =	simm.s32 $0x3  }
.LBB2_1:
0x12: {  	[tilespmem:s4], [sflag:$0x3] =	stream.linear.gather [hbm4b:s8+s4], $0xC80, $0x38;
	[tilespmem:$0x1D000] =	vst v63  }
0x13: {  	_ = 	snop  }
0x14: {  	[tilespmem:s14], [sflag:$0x3] =	stream.linear.gather [hbm4b:s9+s4], $0xC80, $0x38;
	[tilespmem:$0x1D000] =	vst v63  }
0x15: {  	[spmem:s15], [sflag:s10] =	dma.local [hbm:s7], $0x2800  }
0x16: {  	_ =	swait.ge [sflag:s16], $0x2800  }
0x17: {  	[sflag:s16] =	ssyncset.done $0x0  }
0x18: {  	[sflag:s16] =	ssyncadd.s32 $0xFFFFD800  }
0x19: {  	s24 =	simm.s32 $0x0;
	[bflag:$0x0] =	sbarrier.arrive $0xFFFF  }
.LBB2_2:
0x1a: {  	_ =	swait.ge [sflag:s17], $0xC80  }
0x1b: {  	p0 =	seq.s32 s24, $0x4;
	[sflag:s17] =	ssyncset.done $0x0  }
0x1c: {  	s25 =	sshll.u32 @!p0 s24, $0xC;
	[sflag:s17] =	ssyncadd.s32 $0xFFFFF380  }
0x1d: {  	s30 =	simm.s32 @!p0 $0x0;
	s26 =	sadd.s32 @!p0 s25, s11;
	_ =	swait.ge [sflag:s17], $0xC80  }
0x1e: {  	s25 =	sand.u32 @!p0 $0x1000, s25;
	s26 =	sshrl.u32 @!p0 s26, $0x3;
	[sflag:s17] =	ssyncset.done $0x0  }
0x1f: {  	s28 =	sxor.u32 @!p0 $0x1000, s25;
	s29 =	sadd.s32 @!p0 s1, s26;
	[sflag:s17] =	ssyncadd.s32 $0xFFFFF380  }
0x20: {  	[tilespmem:s28], [sflag:$0x3] =	stream.linear.gather @!p0 [hbm4b:s29+s30], $0xC80, $0x38;
	[tilespmem:$0x1D000] =	vst v63  }
0x21: {  	s26 =	sadd.s32 @!p0 s6, s26;
	s28 =	sxor.u32 @!p0 $0x3000, s25  }
0x22: {  	[tilespmem:s28], [sflag:$0x3] =	stream.linear.gather @!p0 [hbm4b:s26+s30], $0xC80, $0x38;
	[tilespmem:$0x1D000] =	vst v63  }
0x23: {  	s25 =	simm.s32 @p0 $0x0  }
0x24: {  	[tilespmem:s19], [sflag:$0x1] =	stream.indirect.gather [hbm4b:s5+s18], $0x80, s25, s18, $0xb8;
	[tilespmem:$0x1D000] =	vst v63  }
0x25: {  	_ =	swait.ge [sflag:s20], $0x2800  }
0x26: {  	s28 =	sadd.s32 $0x0, s25;
	[sflag:s20] =	ssyncset.done $0x0  }
0x27: {  	s26 =	sor.u32 $0x2000, s25;
	s30 =	sadd.s32 $0x80, s28;
	[sflag:s20] =	ssyncadd.s32 $0xFFFFD800  }
0x28: {  	[tilespmem:s21], [sflag:$0x2] =	stream.indirect.gather [hbm4b:s5+s18], $0x80, s30, s18, $0xb8;
	[tilespmem:$0x1D000] =	vst v63  }
0x29: {  	s31 =	sadd.s32 $0x0, s26  }
0x2a: {  	[spmem:s2] =	stream.indirect.scatter.add.f32 [tilespmem:s19], [sflag:$0x4], $0x80, s31, s18, $0xb8;
	[tilespmem:$0x1D000] =	vst v63  }
0x2b: {  	_ =	swait.ge [sflag:s16], $0x2800  }
0x2c: {  	[sflag:s16] =	ssyncset.done $0x0  }
0x2d: {  	[sflag:s16] =	ssyncadd.s32 $0xFFFFD800  }
0x2e: {  	_ =	swait.ge [sflag:s22], $0x2800  }
0x2f: {  	[sflag:s22] =	ssyncset.done $0x0  }
0x30: {  	s28 =	sadd.s32 $0x100, s28;
	[sflag:s22] =	ssyncadd.s32 $0xFFFFD800  }
0x31: {  	[tilespmem:s19], [sflag:$0x1] =	stream.indirect.gather [hbm4b:s5+s18], $0x80, s28, s18, $0xb8;
	[tilespmem:$0x1D000] =	vst v63  }
0x32: {  	s28 =	sadd.s32 $0x80, s31  }
0x33: {  	[spmem:s2] =	stream.indirect.scatter.add.f32 [tilespmem:s21], [sflag:$0x4], $0x80, s28, s18, $0xb8;
	[tilespmem:$0x1D000] =	vst v63  }
0x34: {  	_ =	swait.ge [sflag:s16], $0x2800  }
0x35: {  	s28 =	simm.s32 $0x400;
	[sflag:s16] =	ssyncset.done $0x0  }
.LBB2_3:
0x36: {  	p0 =	sne.s32 s28, $0x2C00  }
0x37: {  	[sflag:s16] =	ssyncadd.s32 $0xFFFFD800;
	s29 =	smov.u32 s28;
	s28 =	sadd.s32 $0x400, s28  }
0x38: {  	_ =	swait.ge [sflag:s20], $0x2800  }
0x39: {  	s29 =	sshra.s32 s29, $0x2;
	[sflag:s20] =	ssyncset.done $0x0  }
0x3a: {  	s30 =	sadd.s32 s29, s25;
	[sflag:s20] =	ssyncadd.s32 $0xFFFFD800  }
0x3b: {  	s31 =	sadd.s32 $0x80, s30  }
0x3c: {  	[tilespmem:s21], [sflag:$0x2] =	stream.indirect.gather [hbm4b:s5+s18], $0x80, s31, s18, $0xb8;
	[tilespmem:$0x1D000] =	vst v63  }
0x3d: {  	s29 =	sadd.s32 s29, s26  }
0x3e: {  	[spmem:s2] =	stream.indirect.scatter.add.f32 [tilespmem:s19], [sflag:$0x4], $0x80, s29, s18, $0xb8;
	[tilespmem:$0x1D000] =	vst v63  }
0x3f: {  	_ =	swait.ge [sflag:s16], $0x2800  }
0x40: {  	[sflag:s16] =	ssyncset.done $0x0  }
0x41: {  	[sflag:s16] =	ssyncadd.s32 $0xFFFFD800  }
0x42: {  	_ =	swait.ge [sflag:s22], $0x2800  }
0x43: {  	[sflag:s22] =	ssyncset.done $0x0  }
0x44: {  	s30 =	sadd.s32 $0x100, s30;
	[sflag:s22] =	ssyncadd.s32 $0xFFFFD800  }
0x45: {  	[tilespmem:s19], [sflag:$0x1] =	stream.indirect.gather [hbm4b:s5+s18], $0x80, s30, s18, $0xb8;
	[tilespmem:$0x1D000] =	vst v63  }
.Ltmp0:
0x46: {  	_ = 	snop;
	(pc) =	sbr.rel @p0 .LBB2_3-.Ltmp0, $4  }
0x47: {  	s29 =	sadd.s32 $0x80, s29  }
0x48: {  	[spmem:s2] =	stream.indirect.scatter.add.f32 [tilespmem:s21], [sflag:$0x4], $0x80, s29, s18, $0xb8;
	[tilespmem:$0x1D000] =	vst v63  }
0x49: {  	_ =	swait.ge [sflag:s16], $0x2800  }
0x4a: {  	[sflag:s16] =	ssyncset.done $0x0  }
0x4b: {  	[sflag:s16] =	ssyncadd.s32 $0xFFFFD800  }
0x4c: {  	s24 =	sadd.s32 $0x1, s24;
	_ =	swait.ge [sflag:s20], $0x2800  }
0x4d: {  	p0 =	sne.s32 s24, $0x5;
	[sflag:s20] =	ssyncset.done $0x0  }
.Ltmp1:
0x4e: {  	s25 =	sadd.s32 $0x2C00, s25;
	[sflag:s20] =	ssyncadd.s32 $0xFFFFD800;
	(pc) =	sbr.rel @p0 .LBB2_2-.Ltmp1, $4  }
0x4f: {  	[spmem:s2] =	stream.indirect.scatter.add.f32 [tilespmem:s19], [sflag:$0x4], $0x80, s25, s18, $0xb8;
	[tilespmem:$0x1D000] =	vst v63  }
0x50: {  	_ =	swait.ge [sflag:s16], $0x2800  }
0x51: {  	[sflag:s16] =	ssyncset.done $0x0  }
0x52: {  	[sflag:s16] =	ssyncadd.s32 $0xFFFFD800  }
0x53: {  	s23 =	sadd.s32 $0x1, s23  }
0x54: {  	p0 =	sne.s32 s23, s13  }
.Ltmp2:
0x55: {  	[bflag:$0x0] =	sbarrier.arrive $0xFFFF;
	(pc) =	sbr.rel @p0 .LBB2_1-.Ltmp2, $4  }
0x56: {  	[hbm:s12], [sflag:s10] =	dma.local [spmem:s15], $0x2800  }
0x57: {  	_ =	swait.ge [sflag:s16], $0x2800  }
0x58: {  	[sflag:s16] =	ssyncset.done $0x0  }
0x59: {  	[sflag:s16] =	ssyncadd.s32 $0xFFFFD800  }
0x5a: {  	_ =	sfence.sel $0x180000  }
0x5b: {  	[bflag:$0x0] =	sbarrier.arrive $0xFFFF  }
0x5c: {  	p0 =	sne.s32 s3, $0x0;
	_ =	strace $0x90000047  }
0x5d: {  	s0 =	sadd.s32 @!p0 $0x100000, s0;
	[bflag:$0x2] =	sbarrier.arrive $0xFFFF  }
0x5e: {  	[sflag:s0] =	ssyncadd.tile.s32 @!p0 $0x1;
	_ =	shalt  }
.Lfunc_end2:
_tile_overlayer_lowered:
.L_overlay_start_2:
0x5f: {  	(tag) =	ssettag $0x2  }
0x60: {  	s0 =	rddreg [dreg:$0x0];
	s2 =	stileid.u32  }
0x61: {  	s1 =	rddreg [dreg:$0x1];
	p0 =	sne.s32 s2, $0x0  }
0x62: {  	s3 =	rddreg [dreg:$0x2];
	[bflag:$0x3] =	sbarrier.arrive $0xFFFF;
	s2 =	simm.s32 @!p0 $0x1C04  }
0x63: {  	[timem:s3], [sflag:s2] =	dma.local @!p0 [hbm:s0], s1  }
0x64: {  	s0 =	simm.s32 @!p0 $0x4  }
0x65: {  	_ =	swait.ge @!p0 [sflag:s0], s1  }
0x66: {  	s1 =	ssub.s32 @!p0 $0x0, s1;
	[sflag:s0] =	ssyncset.done @!p0 $0x0  }
0x67: {  	[sflag:s0] =	ssyncadd.s32 @!p0 s1  }
0x68: {  	[bflag:$0x3] =	sbarrier.arrive $0xFFFF  }
0x69: {  	_ =	shalt  }

</sc_bundles>
